<compile_context>
chip_gen: v7x
topology: tpu7x:2x2x1
jax: 0.10.2.dev20260603
libtpu: 0.0.44.dev20260713+nightly
codegen_flags: <defaults>
</compile_context>

<pallas_src>
import functools

import jax
import jax.numpy as jnp
from jax import lax
from jax.experimental import pallas as pl
from jax.experimental.pallas import tpu as pltpu
from jax.experimental.pallas import tpu_sc as plsc

CHUNK = 80
NBUF = 8


@functools.cache
def _build(n_rows, d_hid):
    info = plsc.get_sparse_core_info()
    nc, ns = info.num_cores, info.num_subcores
    nw = nc * ns
    n_chunks = n_rows // CHUNK
    assert n_chunks * CHUNK == n_rows
    chunks_per_w = n_chunks // nw
    assert chunks_per_w * nw == n_chunks
    n_iters = chunks_per_w // NBUF
    assert n_iters * NBUF == chunks_per_w

    mesh = plsc.VectorSubcoreMesh(core_axis_name="c", subcore_axis_name="s")

    @functools.partial(
        pl.kernel,
        out_type=jax.ShapeDtypeStruct((n_rows, d_hid), jnp.float32),
        mesh=mesh,
        scratch_types=[
            pltpu.VMEM((chunks_per_w, CHUNK), jnp.int32),
            pltpu.VMEM_SHARED((365, d_hid), jnp.float32),
            *[pltpu.VMEM((CHUNK, d_hid), jnp.float32) for _ in range(NBUF)],
            *[pltpu.SemaphoreType.DMA for _ in range(2 * NBUF)],
        ],
    )
    def gather(idx_hbm, table_hbm, out_hbm, idx_v, table_sh, *rest):
        rows = rest[:NBUF]
        gsem = rest[NBUF:2 * NBUF]
        ssem = rest[2 * NBUF:3 * NBUF]
        sid = lax.axis_index("s")
        wid = sid * nc + lax.axis_index("c")
        c0 = wid * chunks_per_w

        @pl.when(sid == 0)
        def _():
            pltpu.sync_copy(table_hbm, table_sh)

        pltpu.sync_copy(idx_hbm.at[pl.ds(c0, chunks_per_w)], idx_v)
        plsc.subcore_barrier()

        def g_copy(j, b):
            return pltpu.make_async_copy(
                table_sh.at[idx_v.at[j]], rows[b], gsem[b])

        def s_copy(j, b):
            return pltpu.make_async_copy(
                rows[b], out_hbm.at[pl.ds((c0 + j) * CHUNK, CHUNK)], ssem[b])

        for b in range(NBUF):
            g_copy(b, b).start()

        @pl.loop(0, n_iters - 1)
        def _(i):
            for b in range(NBUF):
                j = i * NBUF + b
                g_copy(j, b).wait()
                s_copy(j, b).start()
            for b in range(NBUF):
                j = i * NBUF + b
                s_copy(j, b).wait()
                g_copy(j + NBUF, b).start()

        last = n_iters - 1
        for b in range(NBUF):
            j = last * NBUF + b
            g_copy(j, b).wait()
            s_copy(j, b).start()
        for b in range(NBUF):
            s_copy(last * NBUF + b, b).wait()

    return gather


def kernel(doys, pos_table):
    b, l = doys.shape
    _, d = pos_table.shape
    n_rows = b * l
    idx2d = doys.astype(jnp.int32).reshape(n_rows // CHUNK, CHUNK)
    out = _build(n_rows, d)(idx2d, pos_table)
    return out.reshape(b, l, d)

# --- scband reference (transcript-rebuilt; emitter-appended) ---
"""Pipeline reference for scband-positional-encoding-16853451669776 (READ-ONLY COPY).

The authoritative reference and input builder live on the scoring server;
editing this copy changes nothing except your own understanding.
"""

import jax, jax.numpy as jnp
import numpy as np

D_HID = 128
N_POSITION = 365
BATCH = 4096
SEQ = 200


def _sinusoid_table(n_position, d_hid):
    pos = np.arange(n_position, dtype=np.float64)[:, None]
    hid = np.arange(d_hid)[None, :]
    angle = pos / np.power(1000.0, 2 * (hid // 2) / d_hid)
    table = angle.copy()
    table[:, 0::2] = np.sin(angle[:, 0::2])
    table[:, 1::2] = np.cos(angle[:, 1::2])
    return jnp.asarray(table, dtype=jnp.float32)


def setup_inputs(seed: int = 0) -> dict:
    key = jax.random.key(seed)
    doys = jax.random.randint(key, (BATCH, SEQ), 0, N_POSITION, dtype=jnp.int32)
    pos_table = _sinusoid_table(N_POSITION, D_HID)
    return {"doys": doys, "pos_table": pos_table}


def reference(doys, pos_table):
    # Torch: pos_table [1, N, d] repeated to [B, N, d]; gather along dim=1 with
    # index doys broadcast to [B, L, d]. Equivalent to a row-gather of the shared
    # table per (batch, position) index.
    doys = doys.astype(jnp.int32)
    positional_embedding = jnp.take(pos_table, doys, axis=0)  # [B, L, d_hid]
    return positional_embedding

if __name__ == "__main__":
    import jax
    _d = setup_inputs()
    print(jax.jit(kernel)(*tuple(_d.values())))

</pallas_src>

<mosaic_0001>
#map = affine_map<(d0, d1) -> (0, 0)>
module attributes {stable_mosaic.version = 14 : i64} {
  func.func @gather(%arg0: i32, %arg1: i32, %arg2: memref<10240x80xi32, #tpu.memory_space<hbm>>, %arg3: memref<365x128xf32, #tpu.memory_space<hbm>>, %arg4: memref<819200x128xf32, #tpu.memory_space<hbm>>, %arg5: memref<320x80xi32, #tpu.memory_space<vmem>>, %arg6: memref<365x128xf32, #tpu.memory_space<vmem_shared>>, %arg7: memref<80x128xf32, #tpu.memory_space<vmem>>, %arg8: memref<80x128xf32, #tpu.memory_space<vmem>>, %arg9: memref<80x128xf32, #tpu.memory_space<vmem>>, %arg10: memref<80x128xf32, #tpu.memory_space<vmem>>, %arg11: memref<80x128xf32, #tpu.memory_space<vmem>>, %arg12: memref<80x128xf32, #tpu.memory_space<vmem>>, %arg13: memref<80x128xf32, #tpu.memory_space<vmem>>, %arg14: memref<80x128xf32, #tpu.memory_space<vmem>>, %arg15: memref<!tpu.dma_semaphore, #tpu.memory_space<semaphore_mem>>, %arg16: memref<!tpu.dma_semaphore, #tpu.memory_space<semaphore_mem>>, %arg17: memref<!tpu.dma_semaphore, #tpu.memory_space<semaphore_mem>>, %arg18: memref<!tpu.dma_semaphore, #tpu.memory_space<semaphore_mem>>, %arg19: memref<!tpu.dma_semaphore, #tpu.memory_space<semaphore_mem>>, %arg20: memref<!tpu.dma_semaphore, #tpu.memory_space<semaphore_mem>>, %arg21: memref<!tpu.dma_semaphore, #tpu.memory_space<semaphore_mem>>, %arg22: memref<!tpu.dma_semaphore, #tpu.memory_space<semaphore_mem>>, %arg23: memref<!tpu.dma_semaphore, #tpu.memory_space<semaphore_mem>>, %arg24: memref<!tpu.dma_semaphore, #tpu.memory_space<semaphore_mem>>, %arg25: memref<!tpu.dma_semaphore, #tpu.memory_space<semaphore_mem>>, %arg26: memref<!tpu.dma_semaphore, #tpu.memory_space<semaphore_mem>>, %arg27: memref<!tpu.dma_semaphore, #tpu.memory_space<semaphore_mem>>, %arg28: memref<!tpu.dma_semaphore, #tpu.memory_space<semaphore_mem>>, %arg29: memref<!tpu.dma_semaphore, #tpu.memory_space<semaphore_mem>>, %arg30: memref<!tpu.dma_semaphore, #tpu.memory_space<semaphore_mem>>) attributes {dimension_semantics = [#tpu.dimension_semantics<core_parallel>, #tpu.dimension_semantics<subcore_parallel>], iteration_bounds = array<i64: 2, 16>, scalar_prefetch = 0 : i64, scratch_operands = 26 : i64, tpu.core_type = #tpu.core_type<sc_vector_subcore>, window_params = [{transform_indices = #map}, {transform_indices = #map}, {transform_indices = #map}]} {
    %mul3A = arith.constant 2 : i32
    %mul3A_0 = arith.muli %arg1, %mul3A : i32
    %add3A = arith.addi %mul3A_0, %arg0 : i32
    %mul3A_1 = arith.constant 320 : i32
    %mul3A_2 = arith.muli %add3A, %mul3A_1 : i32
    %eq3A = arith.constant 0 : i32
    %eq3A_3 = arith.cmpi eq, %arg1, %eq3A : i32
    %convert_element_type3A = arith.extui %eq3A_3 : i1 to i32
    %cond3A = arith.constant 0 : i32
    %cond3A_4 = arith.cmpi ne, %convert_element_type3A, %cond3A : i32
    scf.if %cond3A_4 {
      "tpu.region"() ({
        %run_scoped3A = tpu.sem_alloc : memref<!tpu.dma_semaphore, #tpu.memory_space<semaphore_mem>>
        tpu.enqueue_dma source(%arg3 : memref<365x128xf32, #tpu.memory_space<hbm>>) target(%arg6 : memref<365x128xf32, #tpu.memory_space<vmem_shared>>) target_semaphore(%run_scoped3A : memref<!tpu.dma_semaphore, #tpu.memory_space<semaphore_mem>>)
        tpu.wait_dma2 semaphore(%run_scoped3A : memref<!tpu.dma_semaphore, #tpu.memory_space<semaphore_mem>>) src(%arg3 : memref<365x128xf32, #tpu.memory_space<hbm>>) dst(%arg6 : memref<365x128xf32, #tpu.memory_space<vmem_shared>>)
        tpu.yield
      }) : () -> ()
    } else {
    }
    "tpu.region"() ({
      %run_scoped3A = tpu.sem_alloc : memref<!tpu.dma_semaphore, #tpu.memory_space<semaphore_mem>>
      %dma_start3A_247 = arith.constant 0 : i32
      %dma_start3A_248 = tpu.memref_slice %arg2[%mul3A_2, %dma_start3A_247] : memref<10240x80xi32, #tpu.memory_space<hbm>> -> memref<320x80xi32, #tpu.memory_space<hbm>>
      %dma_start3A_249 = arith.constant 0 : i32
      %dma_start3A_250 = tpu.memref_slice %arg2[%mul3A_2, %dma_start3A_249] : memref<10240x80xi32, #tpu.memory_space<hbm>> -> memref<320x80xi32, #tpu.memory_space<hbm>>
      tpu.enqueue_dma source(%dma_start3A_250 : memref<320x80xi32, #tpu.memory_space<hbm>>) target(%arg5 : memref<320x80xi32, #tpu.memory_space<vmem>>) target_semaphore(%run_scoped3A : memref<!tpu.dma_semaphore, #tpu.memory_space<semaphore_mem>>)
      %dma_wait3A_251 = arith.constant 0 : i32
      %dma_wait3A_252 = tpu.memref_slice %arg2[%mul3A_2, %dma_wait3A_251] : memref<10240x80xi32, #tpu.memory_space<hbm>> -> memref<320x80xi32, #tpu.memory_space<hbm>>
      %dma_wait3A_253 = arith.constant 0 : i32
      %dma_wait3A_254 = tpu.memref_slice %arg2[%mul3A_2, %dma_wait3A_253] : memref<10240x80xi32, #tpu.memory_space<hbm>> -> memref<320x80xi32, #tpu.memory_space<hbm>>
      tpu.wait_dma2 semaphore(%run_scoped3A : memref<!tpu.dma_semaphore, #tpu.memory_space<semaphore_mem>>) src(%dma_wait3A_254 : memref<320x80xi32, #tpu.memory_space<hbm>>) dst(%arg5 : memref<320x80xi32, #tpu.memory_space<vmem>>)
      tpu.yield
    }) : () -> ()
    %barrier3A = arith.constant 0 : index
    tpu.barrier barrier_id(%barrier3A)
    %dma_start3A = arith.constant 0 : i32
    %dma_start3A_5 = arith.constant 0 : i32
    %dma_start3A_6 = tpu.memref_slice %arg5[%dma_start3A, %dma_start3A_5] : memref<320x80xi32, #tpu.memory_space<vmem>> -> memref<1x80xi32, #tpu.memory_space<vmem>>
    %dma_start3A_7 = tpu.memref_squeeze %dma_start3A_6 : memref<1x80xi32, #tpu.memory_space<vmem>> -> memref<80xi32, #tpu.memory_space<vmem>>
    %dma_start3A_8 = arith.constant 0 : i32
    %dma_start3A_9 = arith.constant 0 : i32
    %dma_start3A_10 = tpu.memref_slice %arg6[%dma_start3A_8, %dma_start3A_9] : memref<365x128xf32, #tpu.memory_space<vmem_shared>> -> memref<365x128xf32, #tpu.memory_space<vmem_shared>>
    tpu.enqueue_indirect_dma source(%dma_start3A_10 : memref<365x128xf32, #tpu.memory_space<vmem_shared>>) target(%arg7 : memref<80x128xf32, #tpu.memory_space<vmem>>) offsets(%dma_start3A_7 : memref<80xi32, #tpu.memory_space<vmem>>) semaphore(%arg15 : memref<!tpu.dma_semaphore, #tpu.memory_space<semaphore_mem>>)
    %dma_start3A_11 = arith.constant 1 : i32
    %dma_start3A_12 = arith.constant 0 : i32
    %dma_start3A_13 = tpu.memref_slice %arg5[%dma_start3A_11, %dma_start3A_12] : memref<320x80xi32, #tpu.memory_space<vmem>> -> memref<1x80xi32, #tpu.memory_space<vmem>>
    %dma_start3A_14 = tpu.memref_squeeze %dma_start3A_13 : memref<1x80xi32, #tpu.memory_space<vmem>> -> memref<80xi32, #tpu.memory_space<vmem>>
    %dma_start3A_15 = arith.constant 0 : i32
    %dma_start3A_16 = arith.constant 0 : i32
    %dma_start3A_17 = tpu.memref_slice %arg6[%dma_start3A_15, %dma_start3A_16] : memref<365x128xf32, #tpu.memory_space<vmem_shared>> -> memref<365x128xf32, #tpu.memory_space<vmem_shared>>
    tpu.enqueue_indirect_dma source(%dma_start3A_17 : memref<365x128xf32, #tpu.memory_space<vmem_shared>>) target(%arg8 : memref<80x128xf32, #tpu.memory_space<vmem>>) offsets(%dma_start3A_14 : memref<80xi32, #tpu.memory_space<vmem>>) semaphore(%arg16 : memref<!tpu.dma_semaphore, #tpu.memory_space<semaphore_mem>>)
    %dma_start3A_18 = arith.constant 2 : i32
    %dma_start3A_19 = arith.constant 0 : i32
    %dma_start3A_20 = tpu.memref_slice %arg5[%dma_start3A_18, %dma_start3A_19] : memref<320x80xi32, #tpu.memory_space<vmem>> -> memref<1x80xi32, #tpu.memory_space<vmem>>
    %dma_start3A_21 = tpu.memref_squeeze %dma_start3A_20 : memref<1x80xi32, #tpu.memory_space<vmem>> -> memref<80xi32, #tpu.memory_space<vmem>>
    %dma_start3A_22 = arith.constant 0 : i32
    %dma_start3A_23 = arith.constant 0 : i32
    %dma_start3A_24 = tpu.memref_slice %arg6[%dma_start3A_22, %dma_start3A_23] : memref<365x128xf32, #tpu.memory_space<vmem_shared>> -> memref<365x128xf32, #tpu.memory_space<vmem_shared>>
    tpu.enqueue_indirect_dma source(%dma_start3A_24 : memref<365x128xf32, #tpu.memory_space<vmem_shared>>) target(%arg9 : memref<80x128xf32, #tpu.memory_space<vmem>>) offsets(%dma_start3A_21 : memref<80xi32, #tpu.memory_space<vmem>>) semaphore(%arg17 : memref<!tpu.dma_semaphore, #tpu.memory_space<semaphore_mem>>)
    %dma_start3A_25 = arith.constant 3 : i32
    %dma_start3A_26 = arith.constant 0 : i32
    %dma_start3A_27 = tpu.memref_slice %arg5[%dma_start3A_25, %dma_start3A_26] : memref<320x80xi32, #tpu.memory_space<vmem>> -> memref<1x80xi32, #tpu.memory_space<vmem>>
    %dma_start3A_28 = tpu.memref_squeeze %dma_start3A_27 : memref<1x80xi32, #tpu.memory_space<vmem>> -> memref<80xi32, #tpu.memory_space<vmem>>
    %dma_start3A_29 = arith.constant 0 : i32
    %dma_start3A_30 = arith.constant 0 : i32
    %dma_start3A_31 = tpu.memref_slice %arg6[%dma_start3A_29, %dma_start3A_30] : memref<365x128xf32, #tpu.memory_space<vmem_shared>> -> memref<365x128xf32, #tpu.memory_space<vmem_shared>>
    tpu.enqueue_indirect_dma source(%dma_start3A_31 : memref<365x128xf32, #tpu.memory_space<vmem_shared>>) target(%arg10 : memref<80x128xf32, #tpu.memory_space<vmem>>) offsets(%dma_start3A_28 : memref<80xi32, #tpu.memory_space<vmem>>) semaphore(%arg18 : memref<!tpu.dma_semaphore, #tpu.memory_space<semaphore_mem>>)
    %dma_start3A_32 = arith.constant 4 : i32
    %dma_start3A_33 = arith.constant 0 : i32
    %dma_start3A_34 = tpu.memref_slice %arg5[%dma_start3A_32, %dma_start3A_33] : memref<320x80xi32, #tpu.memory_space<vmem>> -> memref<1x80xi32, #tpu.memory_space<vmem>>
    %dma_start3A_35 = tpu.memref_squeeze %dma_start3A_34 : memref<1x80xi32, #tpu.memory_space<vmem>> -> memref<80xi32, #tpu.memory_space<vmem>>
    %dma_start3A_36 = arith.constant 0 : i32
    %dma_start3A_37 = arith.constant 0 : i32
    %dma_start3A_38 = tpu.memref_slice %arg6[%dma_start3A_36, %dma_start3A_37] : memref<365x128xf32, #tpu.memory_space<vmem_shared>> -> memref<365x128xf32, #tpu.memory_space<vmem_shared>>
    tpu.enqueue_indirect_dma source(%dma_start3A_38 : memref<365x128xf32, #tpu.memory_space<vmem_shared>>) target(%arg11 : memref<80x128xf32, #tpu.memory_space<vmem>>) offsets(%dma_start3A_35 : memref<80xi32, #tpu.memory_space<vmem>>) semaphore(%arg19 : memref<!tpu.dma_semaphore, #tpu.memory_space<semaphore_mem>>)
    %dma_start3A_39 = arith.constant 5 : i32
    %dma_start3A_40 = arith.constant 0 : i32
    %dma_start3A_41 = tpu.memref_slice %arg5[%dma_start3A_39, %dma_start3A_40] : memref<320x80xi32, #tpu.memory_space<vmem>> -> memref<1x80xi32, #tpu.memory_space<vmem>>
    %dma_start3A_42 = tpu.memref_squeeze %dma_start3A_41 : memref<1x80xi32, #tpu.memory_space<vmem>> -> memref<80xi32, #tpu.memory_space<vmem>>
    %dma_start3A_43 = arith.constant 0 : i32
    %dma_start3A_44 = arith.constant 0 : i32
    %dma_start3A_45 = tpu.memref_slice %arg6[%dma_start3A_43, %dma_start3A_44] : memref<365x128xf32, #tpu.memory_space<vmem_shared>> -> memref<365x128xf32, #tpu.memory_space<vmem_shared>>
    tpu.enqueue_indirect_dma source(%dma_start3A_45 : memref<365x128xf32, #tpu.memory_space<vmem_shared>>) target(%arg12 : memref<80x128xf32, #tpu.memory_space<vmem>>) offsets(%dma_start3A_42 : memref<80xi32, #tpu.memory_space<vmem>>) semaphore(%arg20 : memref<!tpu.dma_semaphore, #tpu.memory_space<semaphore_mem>>)
    %dma_start3A_46 = arith.constant 6 : i32
    %dma_start3A_47 = arith.constant 0 : i32
    %dma_start3A_48 = tpu.memref_slice %arg5[%dma_start3A_46, %dma_start3A_47] : memref<320x80xi32, #tpu.memory_space<vmem>> -> memref<1x80xi32, #tpu.memory_space<vmem>>
    %dma_start3A_49 = tpu.memref_squeeze %dma_start3A_48 : memref<1x80xi32, #tpu.memory_space<vmem>> -> memref<80xi32, #tpu.memory_space<vmem>>
    %dma_start3A_50 = arith.constant 0 : i32
    %dma_start3A_51 = arith.constant 0 : i32
    %dma_start3A_52 = tpu.memref_slice %arg6[%dma_start3A_50, %dma_start3A_51] : memref<365x128xf32, #tpu.memory_space<vmem_shared>> -> memref<365x128xf32, #tpu.memory_space<vmem_shared>>
    tpu.enqueue_indirect_dma source(%dma_start3A_52 : memref<365x128xf32, #tpu.memory_space<vmem_shared>>) target(%arg13 : memref<80x128xf32, #tpu.memory_space<vmem>>) offsets(%dma_start3A_49 : memref<80xi32, #tpu.memory_space<vmem>>) semaphore(%arg21 : memref<!tpu.dma_semaphore, #tpu.memory_space<semaphore_mem>>)
    %dma_start3A_53 = arith.constant 7 : i32
    %dma_start3A_54 = arith.constant 0 : i32
    %dma_start3A_55 = tpu.memref_slice %arg5[%dma_start3A_53, %dma_start3A_54] : memref<320x80xi32, #tpu.memory_space<vmem>> -> memref<1x80xi32, #tpu.memory_space<vmem>>
    %dma_start3A_56 = tpu.memref_squeeze %dma_start3A_55 : memref<1x80xi32, #tpu.memory_space<vmem>> -> memref<80xi32, #tpu.memory_space<vmem>>
    %dma_start3A_57 = arith.constant 0 : i32
    %dma_start3A_58 = arith.constant 0 : i32
    %dma_start3A_59 = tpu.memref_slice %arg6[%dma_start3A_57, %dma_start3A_58] : memref<365x128xf32, #tpu.memory_space<vmem_shared>> -> memref<365x128xf32, #tpu.memory_space<vmem_shared>>
    tpu.enqueue_indirect_dma source(%dma_start3A_59 : memref<365x128xf32, #tpu.memory_space<vmem_shared>>) target(%arg14 : memref<80x128xf32, #tpu.memory_space<vmem>>) offsets(%dma_start3A_56 : memref<80xi32, #tpu.memory_space<vmem>>) semaphore(%arg22 : memref<!tpu.dma_semaphore, #tpu.memory_space<semaphore_mem>>)
    %scan3A = arith.constant 0 : i32
    %scan3A_60 = arith.constant 39 : i32
    %scan3A_61 = arith.addi %scan3A, %scan3A_60 : i32
    %scan3A_62 = arith.constant 1 : i32
    scf.for %scan3A_247 = %scan3A to %scan3A_61 step %scan3A_62  : i32 {
      %mul3A_248 = arith.constant 1 : i32
      %mul3A_249 = arith.muli %scan3A_247, %mul3A_248 : i32
      %add3A_250 = arith.constant 0 : i32
      %add3A_251 = arith.addi %add3A_250, %mul3A_249 : i32
      %mul3A_252 = arith.constant 8 : i32
      %mul3A_253 = arith.muli %add3A_251, %mul3A_252 : i32
      %add3A_254 = arith.constant 0 : i32
      %add3A_255 = arith.addi %mul3A_253, %add3A_254 : i32
      %dma_wait3A_256 = arith.constant 0 : i32
      %dma_wait3A_257 = tpu.memref_slice %arg5[%add3A_255, %dma_wait3A_256] : memref<320x80xi32, #tpu.memory_space<vmem>> -> memref<1x80xi32, #tpu.memory_space<vmem>>
      %dma_wait3A_258 = tpu.memref_squeeze %dma_wait3A_257 : memref<1x80xi32, #tpu.memory_space<vmem>> -> memref<80xi32, #tpu.memory_space<vmem>>
      %dma_wait3A_259 = arith.constant 0 : i32
      %dma_wait3A_260 = arith.constant 0 : i32
      %dma_wait3A_261 = tpu.memref_slice %arg6[%dma_wait3A_259, %dma_wait3A_260] : memref<365x128xf32, #tpu.memory_space<vmem_shared>> -> memref<365x128xf32, #tpu.memory_space<vmem_shared>>
      tpu.wait_indirect_dma semaphore(%arg15 : memref<!tpu.dma_semaphore, #tpu.memory_space<semaphore_mem>>) src(%dma_wait3A_261 : memref<365x128xf32, #tpu.memory_space<vmem_shared>>) dst(%arg7 : memref<80x128xf32, #tpu.memory_space<vmem>>)
      %add3A_262 = arith.addi %mul3A_2, %add3A_255 : i32
      %mul3A_263 = arith.constant 80 : i32
      %mul3A_264 = arith.muli %add3A_262, %mul3A_263 : i32
      %dma_start3A_265 = arith.constant 0 : i32
      %dma_start3A_266 = tpu.memref_slice %arg4[%mul3A_264, %dma_start3A_265] : memref<819200x128xf32, #tpu.memory_space<hbm>> -> memref<80x128xf32, #tpu.memory_space<hbm>>
      %dma_start3A_267 = arith.constant 0 : i32
      %dma_start3A_268 = tpu.memref_slice %arg4[%mul3A_264, %dma_start3A_267] : memref<819200x128xf32, #tpu.memory_space<hbm>> -> memref<80x128xf32, #tpu.memory_space<hbm>>
      tpu.enqueue_dma source(%arg7 : memref<80x128xf32, #tpu.memory_space<vmem>>) target(%dma_start3A_268 : memref<80x128xf32, #tpu.memory_space<hbm>>) target_semaphore(%arg23 : memref<!tpu.dma_semaphore, #tpu.memory_space<semaphore_mem>>)
      %mul3A_269 = arith.constant 8 : i32
      %mul3A_270 = arith.muli %add3A_251, %mul3A_269 : i32
      %add3A_271 = arith.constant 1 : i32
      %add3A_272 = arith.addi %mul3A_270, %add3A_271 : i32
      %dma_wait3A_273 = arith.constant 0 : i32
      %dma_wait3A_274 = tpu.memref_slice %arg5[%add3A_272, %dma_wait3A_273] : memref<320x80xi32, #tpu.memory_space<vmem>> -> memref<1x80xi32, #tpu.memory_space<vmem>>
      %dma_wait3A_275 = tpu.memref_squeeze %dma_wait3A_274 : memref<1x80xi32, #tpu.memory_space<vmem>> -> memref<80xi32, #tpu.memory_space<vmem>>
      %dma_wait3A_276 = arith.constant 0 : i32
      %dma_wait3A_277 = arith.constant 0 : i32
      %dma_wait3A_278 = tpu.memref_slice %arg6[%dma_wait3A_276, %dma_wait3A_277] : memref<365x128xf32, #tpu.memory_space<vmem_shared>> -> memref<365x128xf32, #tpu.memory_space<vmem_shared>>
      tpu.wait_indirect_dma semaphore(%arg16 : memref<!tpu.dma_semaphore, #tpu.memory_space<semaphore_mem>>) src(%dma_wait3A_278 : memref<365x128xf32, #tpu.memory_space<vmem_shared>>) dst(%arg8 : memref<80x128xf32, #tpu.memory_space<vmem>>)
      %add3A_279 = arith.addi %mul3A_2, %add3A_272 : i32
      %mul3A_280 = arith.constant 80 : i32
      %mul3A_281 = arith.muli %add3A_279, %mul3A_280 : i32
      %dma_start3A_282 = arith.constant 0 : i32
      %dma_start3A_283 = tpu.memref_slice %arg4[%mul3A_281, %dma_start3A_282] : memref<819200x128xf32, #tpu.memory_space<hbm>> -> memref<80x128xf32, #tpu.memory_space<hbm>>
      %dma_start3A_284 = arith.constant 0 : i32
      %dma_start3A_285 = tpu.memref_slice %arg4[%mul3A_281, %dma_start3A_284] : memref<819200x128xf32, #tpu.memory_space<hbm>> -> memref<80x128xf32, #tpu.memory_space<hbm>>
      tpu.enqueue_dma source(%arg8 : memref<80x128xf32, #tpu.memory_space<vmem>>) target(%dma_start3A_285 : memref<80x128xf32, #tpu.memory_space<hbm>>) target_semaphore(%arg24 : memref<!tpu.dma_semaphore, #tpu.memory_space<semaphore_mem>>)
      %mul3A_286 = arith.constant 8 : i32
      %mul3A_287 = arith.muli %add3A_251, %mul3A_286 : i32
      %add3A_288 = arith.constant 2 : i32
      %add3A_289 = arith.addi %mul3A_287, %add3A_288 : i32
      %dma_wait3A_290 = arith.constant 0 : i32
      %dma_wait3A_291 = tpu.memref_slice %arg5[%add3A_289, %dma_wait3A_290] : memref<320x80xi32, #tpu.memory_space<vmem>> -> memref<1x80xi32, #tpu.memory_space<vmem>>
      %dma_wait3A_292 = tpu.memref_squeeze %dma_wait3A_291 : memref<1x80xi32, #tpu.memory_space<vmem>> -> memref<80xi32, #tpu.memory_space<vmem>>
      %dma_wait3A_293 = arith.constant 0 : i32
      %dma_wait3A_294 = arith.constant 0 : i32
      %dma_wait3A_295 = tpu.memref_slice %arg6[%dma_wait3A_293, %dma_wait3A_294] : memref<365x128xf32, #tpu.memory_space<vmem_shared>> -> memref<365x128xf32, #tpu.memory_space<vmem_shared>>
      tpu.wait_indirect_dma semaphore(%arg17 : memref<!tpu.dma_semaphore, #tpu.memory_space<semaphore_mem>>) src(%dma_wait3A_295 : memref<365x128xf32, #tpu.memory_space<vmem_shared>>) dst(%arg9 : memref<80x128xf32, #tpu.memory_space<vmem>>)
      %add3A_296 = arith.addi %mul3A_2, %add3A_289 : i32
      %mul3A_297 = arith.constant 80 : i32
      %mul3A_298 = arith.muli %add3A_296, %mul3A_297 : i32
      %dma_start3A_299 = arith.constant 0 : i32
      %dma_start3A_300 = tpu.memref_slice %arg4[%mul3A_298, %dma_start3A_299] : memref<819200x128xf32, #tpu.memory_space<hbm>> -> memref<80x128xf32, #tpu.memory_space<hbm>>
      %dma_start3A_301 = arith.constant 0 : i32
      %dma_start3A_302 = tpu.memref_slice %arg4[%mul3A_298, %dma_start3A_301] : memref<819200x128xf32, #tpu.memory_space<hbm>> -> memref<80x128xf32, #tpu.memory_space<hbm>>
      tpu.enqueue_dma source(%arg9 : memref<80x128xf32, #tpu.memory_space<vmem>>) target(%dma_start3A_302 : memref<80x128xf32, #tpu.memory_space<hbm>>) target_semaphore(%arg25 : memref<!tpu.dma_semaphore, #tpu.memory_space<semaphore_mem>>)
      %mul3A_303 = arith.constant 8 : i32
      %mul3A_304 = arith.muli %add3A_251, %mul3A_303 : i32
      %add3A_305 = arith.constant 3 : i32
      %add3A_306 = arith.addi %mul3A_304, %add3A_305 : i32
      %dma_wait3A_307 = arith.constant 0 : i32
      %dma_wait3A_308 = tpu.memref_slice %arg5[%add3A_306, %dma_wait3A_307] : memref<320x80xi32, #tpu.memory_space<vmem>> -> memref<1x80xi32, #tpu.memory_space<vmem>>
      %dma_wait3A_309 = tpu.memref_squeeze %dma_wait3A_308 : memref<1x80xi32, #tpu.memory_space<vmem>> -> memref<80xi32, #tpu.memory_space<vmem>>
      %dma_wait3A_310 = arith.constant 0 : i32
      %dma_wait3A_311 = arith.constant 0 : i32
      %dma_wait3A_312 = tpu.memref_slice %arg6[%dma_wait3A_310, %dma_wait3A_311] : memref<365x128xf32, #tpu.memory_space<vmem_shared>> -> memref<365x128xf32, #tpu.memory_space<vmem_shared>>
      tpu.wait_indirect_dma semaphore(%arg18 : memref<!tpu.dma_semaphore, #tpu.memory_space<semaphore_mem>>) src(%dma_wait3A_312 : memref<365x128xf32, #tpu.memory_space<vmem_shared>>) dst(%arg10 : memref<80x128xf32, #tpu.memory_space<vmem>>)
      %add3A_313 = arith.addi %mul3A_2, %add3A_306 : i32
      %mul3A_314 = arith.constant 80 : i32
      %mul3A_315 = arith.muli %add3A_313, %mul3A_314 : i32
      %dma_start3A_316 = arith.constant 0 : i32
      %dma_start3A_317 = tpu.memref_slice %arg4[%mul3A_315, %dma_start3A_316] : memref<819200x128xf32, #tpu.memory_space<hbm>> -> memref<80x128xf32, #tpu.memory_space<hbm>>
      %dma_start3A_318 = arith.constant 0 : i32
      %dma_start3A_319 = tpu.memref_slice %arg4[%mul3A_315, %dma_start3A_318] : memref<819200x128xf32, #tpu.memory_space<hbm>> -> memref<80x128xf32, #tpu.memory_space<hbm>>
      tpu.enqueue_dma source(%arg10 : memref<80x128xf32, #tpu.memory_space<vmem>>) target(%dma_start3A_319 : memref<80x128xf32, #tpu.memory_space<hbm>>) target_semaphore(%arg26 : memref<!tpu.dma_semaphore, #tpu.memory_space<semaphore_mem>>)
      %mul3A_320 = arith.constant 8 : i32
      %mul3A_321 = arith.muli %add3A_251, %mul3A_320 : i32
      %add3A_322 = arith.constant 4 : i32
      %add3A_323 = arith.addi %mul3A_321, %add3A_322 : i32
      %dma_wait3A_324 = arith.constant 0 : i32
      %dma_wait3A_325 = tpu.memref_slice %arg5[%add3A_323, %dma_wait3A_324] : memref<320x80xi32, #tpu.memory_space<vmem>> -> memref<1x80xi32, #tpu.memory_space<vmem>>
      %dma_wait3A_326 = tpu.memref_squeeze %dma_wait3A_325 : memref<1x80xi32, #tpu.memory_space<vmem>> -> memref<80xi32, #tpu.memory_space<vmem>>
      %dma_wait3A_327 = arith.constant 0 : i32
      %dma_wait3A_328 = arith.constant 0 : i32
      %dma_wait3A_329 = tpu.memref_slice %arg6[%dma_wait3A_327, %dma_wait3A_328] : memref<365x128xf32, #tpu.memory_space<vmem_shared>> -> memref<365x128xf32, #tpu.memory_space<vmem_shared>>
      tpu.wait_indirect_dma semaphore(%arg19 : memref<!tpu.dma_semaphore, #tpu.memory_space<semaphore_mem>>) src(%dma_wait3A_329 : memref<365x128xf32, #tpu.memory_space<vmem_shared>>) dst(%arg11 : memref<80x128xf32, #tpu.memory_space<vmem>>)
      %add3A_330 = arith.addi %mul3A_2, %add3A_323 : i32
      %mul3A_331 = arith.constant 80 : i32
      %mul3A_332 = arith.muli %add3A_330, %mul3A_331 : i32
      %dma_start3A_333 = arith.constant 0 : i32
      %dma_start3A_334 = tpu.memref_slice %arg4[%mul3A_332, %dma_start3A_333] : memref<819200x128xf32, #tpu.memory_space<hbm>> -> memref<80x128xf32, #tpu.memory_space<hbm>>
      %dma_start3A_335 = arith.constant 0 : i32
      %dma_start3A_336 = tpu.memref_slice %arg4[%mul3A_332, %dma_start3A_335] : memref<819200x128xf32, #tpu.memory_space<hbm>> -> memref<80x128xf32, #tpu.memory_space<hbm>>
      tpu.enqueue_dma source(%arg11 : memref<80x128xf32, #tpu.memory_space<vmem>>) target(%dma_start3A_336 : memref<80x128xf32, #tpu.memory_space<hbm>>) target_semaphore(%arg27 : memref<!tpu.dma_semaphore, #tpu.memory_space<semaphore_mem>>)
      %mul3A_337 = arith.constant 8 : i32
      %mul3A_338 = arith.muli %add3A_251, %mul3A_337 : i32
      %add3A_339 = arith.constant 5 : i32
      %add3A_340 = arith.addi %mul3A_338, %add3A_339 : i32
      %dma_wait3A_341 = arith.constant 0 : i32
      %dma_wait3A_342 = tpu.memref_slice %arg5[%add3A_340, %dma_wait3A_341] : memref<320x80xi32, #tpu.memory_space<vmem>> -> memref<1x80xi32, #tpu.memory_space<vmem>>
      %dma_wait3A_343 = tpu.memref_squeeze %dma_wait3A_342 : memref<1x80xi32, #tpu.memory_space<vmem>> -> memref<80xi32, #tpu.memory_space<vmem>>
      %dma_wait3A_344 = arith.constant 0 : i32
      %dma_wait3A_345 = arith.constant 0 : i32
      %dma_wait3A_346 = tpu.memref_slice %arg6[%dma_wait3A_344, %dma_wait3A_345] : memref<365x128xf32, #tpu.memory_space<vmem_shared>> -> memref<365x128xf32, #tpu.memory_space<vmem_shared>>
      tpu.wait_indirect_dma semaphore(%arg20 : memref<!tpu.dma_semaphore, #tpu.memory_space<semaphore_mem>>) src(%dma_wait3A_346 : memref<365x128xf32, #tpu.memory_space<vmem_shared>>) dst(%arg12 : memref<80x128xf32, #tpu.memory_space<vmem>>)
      %add3A_347 = arith.addi %mul3A_2, %add3A_340 : i32
      %mul3A_348 = arith.constant 80 : i32
      %mul3A_349 = arith.muli %add3A_347, %mul3A_348 : i32
      %dma_start3A_350 = arith.constant 0 : i32
      %dma_start3A_351 = tpu.memref_slice %arg4[%mul3A_349, %dma_start3A_350] : memref<819200x128xf32, #tpu.memory_space<hbm>> -> memref<80x128xf32, #tpu.memory_space<hbm>>
      %dma_start3A_352 = arith.constant 0 : i32
      %dma_start3A_353 = tpu.memref_slice %arg4[%mul3A_349, %dma_start3A_352] : memref<819200x128xf32, #tpu.memory_space<hbm>> -> memref<80x128xf32, #tpu.memory_space<hbm>>
      tpu.enqueue_dma source(%arg12 : memref<80x128xf32, #tpu.memory_space<vmem>>) target(%dma_start3A_353 : memref<80x128xf32, #tpu.memory_space<hbm>>) target_semaphore(%arg28 : memref<!tpu.dma_semaphore, #tpu.memory_space<semaphore_mem>>)
      %mul3A_354 = arith.constant 8 : i32
      %mul3A_355 = arith.muli %add3A_251, %mul3A_354 : i32
      %add3A_356 = arith.constant 6 : i32
      %add3A_357 = arith.addi %mul3A_355, %add3A_356 : i32
      %dma_wait3A_358 = arith.constant 0 : i32
      %dma_wait3A_359 = tpu.memref_slice %arg5[%add3A_357, %dma_wait3A_358] : memref<320x80xi32, #tpu.memory_space<vmem>> -> memref<1x80xi32, #tpu.memory_space<vmem>>
      %dma_wait3A_360 = tpu.memref_squeeze %dma_wait3A_359 : memref<1x80xi32, #tpu.memory_space<vmem>> -> memref<80xi32, #tpu.memory_space<vmem>>
      %dma_wait3A_361 = arith.constant 0 : i32
      %dma_wait3A_362 = arith.constant 0 : i32
      %dma_wait3A_363 = tpu.memref_slice %arg6[%dma_wait3A_361, %dma_wait3A_362] : memref<365x128xf32, #tpu.memory_space<vmem_shared>> -> memref<365x128xf32, #tpu.memory_space<vmem_shared>>
      tpu.wait_indirect_dma semaphore(%arg21 : memref<!tpu.dma_semaphore, #tpu.memory_space<semaphore_mem>>) src(%dma_wait3A_363 : memref<365x128xf32, #tpu.memory_space<vmem_shared>>) dst(%arg13 : memref<80x128xf32, #tpu.memory_space<vmem>>)
      %add3A_364 = arith.addi %mul3A_2, %add3A_357 : i32
      %mul3A_365 = arith.constant 80 : i32
      %mul3A_366 = arith.muli %add3A_364, %mul3A_365 : i32
      %dma_start3A_367 = arith.constant 0 : i32
      %dma_start3A_368 = tpu.memref_slice %arg4[%mul3A_366, %dma_start3A_367] : memref<819200x128xf32, #tpu.memory_space<hbm>> -> memref<80x128xf32, #tpu.memory_space<hbm>>
      %dma_start3A_369 = arith.constant 0 : i32
      %dma_start3A_370 = tpu.memref_slice %arg4[%mul3A_366, %dma_start3A_369] : memref<819200x128xf32, #tpu.memory_space<hbm>> -> memref<80x128xf32, #tpu.memory_space<hbm>>
      tpu.enqueue_dma source(%arg13 : memref<80x128xf32, #tpu.memory_space<vmem>>) target(%dma_start3A_370 : memref<80x128xf32, #tpu.memory_space<hbm>>) target_semaphore(%arg29 : memref<!tpu.dma_semaphore, #tpu.memory_space<semaphore_mem>>)
      %mul3A_371 = arith.constant 8 : i32
      %mul3A_372 = arith.muli %add3A_251, %mul3A_371 : i32
      %add3A_373 = arith.constant 7 : i32
      %add3A_374 = arith.addi %mul3A_372, %add3A_373 : i32
      %dma_wait3A_375 = arith.constant 0 : i32
      %dma_wait3A_376 = tpu.memref_slice %arg5[%add3A_374, %dma_wait3A_375] : memref<320x80xi32, #tpu.memory_space<vmem>> -> memref<1x80xi32, #tpu.memory_space<vmem>>
      %dma_wait3A_377 = tpu.memref_squeeze %dma_wait3A_376 : memref<1x80xi32, #tpu.memory_space<vmem>> -> memref<80xi32, #tpu.memory_space<vmem>>
      %dma_wait3A_378 = arith.constant 0 : i32
      %dma_wait3A_379 = arith.constant 0 : i32
      %dma_wait3A_380 = tpu.memref_slice %arg6[%dma_wait3A_378, %dma_wait3A_379] : memref<365x128xf32, #tpu.memory_space<vmem_shared>> -> memref<365x128xf32, #tpu.memory_space<vmem_shared>>
      tpu.wait_indirect_dma semaphore(%arg22 : memref<!tpu.dma_semaphore, #tpu.memory_space<semaphore_mem>>) src(%dma_wait3A_380 : memref<365x128xf32, #tpu.memory_space<vmem_shared>>) dst(%arg14 : memref<80x128xf32, #tpu.memory_space<vmem>>)
      %add3A_381 = arith.addi %mul3A_2, %add3A_374 : i32
      %mul3A_382 = arith.constant 80 : i32
      %mul3A_383 = arith.muli %add3A_381, %mul3A_382 : i32
      %dma_start3A_384 = arith.constant 0 : i32
      %dma_start3A_385 = tpu.memref_slice %arg4[%mul3A_383, %dma_start3A_384] : memref<819200x128xf32, #tpu.memory_space<hbm>> -> memref<80x128xf32, #tpu.memory_space<hbm>>
      %dma_start3A_386 = arith.constant 0 : i32
      %dma_start3A_387 = tpu.memref_slice %arg4[%mul3A_383, %dma_start3A_386] : memref<819200x128xf32, #tpu.memory_space<hbm>> -> memref<80x128xf32, #tpu.memory_space<hbm>>
      tpu.enqueue_dma source(%arg14 : memref<80x128xf32, #tpu.memory_space<vmem>>) target(%dma_start3A_387 : memref<80x128xf32, #tpu.memory_space<hbm>>) target_semaphore(%arg30 : memref<!tpu.dma_semaphore, #tpu.memory_space<semaphore_mem>>)
      %mul3A_388 = arith.constant 8 : i32
      %mul3A_389 = arith.muli %add3A_251, %mul3A_388 : i32
      %add3A_390 = arith.constant 0 : i32
      %add3A_391 = arith.addi %mul3A_389, %add3A_390 : i32
      %add3A_392 = arith.addi %mul3A_2, %add3A_391 : i32
      %mul3A_393 = arith.constant 80 : i32
      %mul3A_394 = arith.muli %add3A_392, %mul3A_393 : i32
      %dma_wait3A_395 = arith.constant 0 : i32
      %dma_wait3A_396 = tpu.memref_slice %arg4[%mul3A_394, %dma_wait3A_395] : memref<819200x128xf32, #tpu.memory_space<hbm>> -> memref<80x128xf32, #tpu.memory_space<hbm>>
      %dma_wait3A_397 = arith.constant 0 : i32
      %dma_wait3A_398 = tpu.memref_slice %arg4[%mul3A_394, %dma_wait3A_397] : memref<819200x128xf32, #tpu.memory_space<hbm>> -> memref<80x128xf32, #tpu.memory_space<hbm>>
      tpu.wait_dma2 semaphore(%arg23 : memref<!tpu.dma_semaphore, #tpu.memory_space<semaphore_mem>>) src(%arg7 : memref<80x128xf32, #tpu.memory_space<vmem>>) dst(%dma_wait3A_398 : memref<80x128xf32, #tpu.memory_space<hbm>>)
      %add3A_399 = arith.constant 8 : i32
      %add3A_400 = arith.addi %add3A_391, %add3A_399 : i32
      %dma_start3A_401 = arith.constant 0 : i32
      %dma_start3A_402 = tpu.memref_slice %arg5[%add3A_400, %dma_start3A_401] : memref<320x80xi32, #tpu.memory_space<vmem>> -> memref<1x80xi32, #tpu.memory_space<vmem>>
      %dma_start3A_403 = tpu.memref_squeeze %dma_start3A_402 : memref<1x80xi32, #tpu.memory_space<vmem>> -> memref<80xi32, #tpu.memory_space<vmem>>
      %dma_start3A_404 = arith.constant 0 : i32
      %dma_start3A_405 = arith.constant 0 : i32
      %dma_start3A_406 = tpu.memref_slice %arg6[%dma_start3A_404, %dma_start3A_405] : memref<365x128xf32, #tpu.memory_space<vmem_shared>> -> memref<365x128xf32, #tpu.memory_space<vmem_shared>>
      tpu.enqueue_indirect_dma source(%dma_start3A_406 : memref<365x128xf32, #tpu.memory_space<vmem_shared>>) target(%arg7 : memref<80x128xf32, #tpu.memory_space<vmem>>) offsets(%dma_start3A_403 : memref<80xi32, #tpu.memory_space<vmem>>) semaphore(%arg15 : memref<!tpu.dma_semaphore, #tpu.memory_space<semaphore_mem>>)
      %mul3A_407 = arith.constant 8 : i32
      %mul3A_408 = arith.muli %add3A_251, %mul3A_407 : i32
      %add3A_409 = arith.constant 1 : i32
      %add3A_410 = arith.addi %mul3A_408, %add3A_409 : i32
      %add3A_411 = arith.addi %mul3A_2, %add3A_410 : i32
      %mul3A_412 = arith.constant 80 : i32
      %mul3A_413 = arith.muli %add3A_411, %mul3A_412 : i32
      %dma_wait3A_414 = arith.constant 0 : i32
      %dma_wait3A_415 = tpu.memref_slice %arg4[%mul3A_413, %dma_wait3A_414] : memref<819200x128xf32, #tpu.memory_space<hbm>> -> memref<80x128xf32, #tpu.memory_space<hbm>>
      %dma_wait3A_416 = arith.constant 0 : i32
      %dma_wait3A_417 = tpu.memref_slice %arg4[%mul3A_413, %dma_wait3A_416] : memref<819200x128xf32, #tpu.memory_space<hbm>> -> memref<80x128xf32, #tpu.memory_space<hbm>>
      tpu.wait_dma2 semaphore(%arg24 : memref<!tpu.dma_semaphore, #tpu.memory_space<semaphore_mem>>) src(%arg8 : memref<80x128xf32, #tpu.memory_space<vmem>>) dst(%dma_wait3A_417 : memref<80x128xf32, #tpu.memory_space<hbm>>)
      %add3A_418 = arith.constant 8 : i32
      %add3A_419 = arith.addi %add3A_410, %add3A_418 : i32
      %dma_start3A_420 = arith.constant 0 : i32
      %dma_start3A_421 = tpu.memref_slice %arg5[%add3A_419, %dma_start3A_420] : memref<320x80xi32, #tpu.memory_space<vmem>> -> memref<1x80xi32, #tpu.memory_space<vmem>>
      %dma_start3A_422 = tpu.memref_squeeze %dma_start3A_421 : memref<1x80xi32, #tpu.memory_space<vmem>> -> memref<80xi32, #tpu.memory_space<vmem>>
      %dma_start3A_423 = arith.constant 0 : i32
      %dma_start3A_424 = arith.constant 0 : i32
      %dma_start3A_425 = tpu.memref_slice %arg6[%dma_start3A_423, %dma_start3A_424] : memref<365x128xf32, #tpu.memory_space<vmem_shared>> -> memref<365x128xf32, #tpu.memory_space<vmem_shared>>
      tpu.enqueue_indirect_dma source(%dma_start3A_425 : memref<365x128xf32, #tpu.memory_space<vmem_shared>>) target(%arg8 : memref<80x128xf32, #tpu.memory_space<vmem>>) offsets(%dma_start3A_422 : memref<80xi32, #tpu.memory_space<vmem>>) semaphore(%arg16 : memref<!tpu.dma_semaphore, #tpu.memory_space<semaphore_mem>>)
      %mul3A_426 = arith.constant 8 : i32
      %mul3A_427 = arith.muli %add3A_251, %mul3A_426 : i32
      %add3A_428 = arith.constant 2 : i32
      %add3A_429 = arith.addi %mul3A_427, %add3A_428 : i32
      %add3A_430 = arith.addi %mul3A_2, %add3A_429 : i32
      %mul3A_431 = arith.constant 80 : i32
      %mul3A_432 = arith.muli %add3A_430, %mul3A_431 : i32
      %dma_wait3A_433 = arith.constant 0 : i32
      %dma_wait3A_434 = tpu.memref_slice %arg4[%mul3A_432, %dma_wait3A_433] : memref<819200x128xf32, #tpu.memory_space<hbm>> -> memref<80x128xf32, #tpu.memory_space<hbm>>
      %dma_wait3A_435 = arith.constant 0 : i32
      %dma_wait3A_436 = tpu.memref_slice %arg4[%mul3A_432, %dma_wait3A_435] : memref<819200x128xf32, #tpu.memory_space<hbm>> -> memref<80x128xf32, #tpu.memory_space<hbm>>
      tpu.wait_dma2 semaphore(%arg25 : memref<!tpu.dma_semaphore, #tpu.memory_space<semaphore_mem>>) src(%arg9 : memref<80x128xf32, #tpu.memory_space<vmem>>) dst(%dma_wait3A_436 : memref<80x128xf32, #tpu.memory_space<hbm>>)
      %add3A_437 = arith.constant 8 : i32
      %add3A_438 = arith.addi %add3A_429, %add3A_437 : i32
      %dma_start3A_439 = arith.constant 0 : i32
      %dma_start3A_440 = tpu.memref_slice %arg5[%add3A_438, %dma_start3A_439] : memref<320x80xi32, #tpu.memory_space<vmem>> -> memref<1x80xi32, #tpu.memory_space<vmem>>
      %dma_start3A_441 = tpu.memref_squeeze %dma_start3A_440 : memref<1x80xi32, #tpu.memory_space<vmem>> -> memref<80xi32, #tpu.memory_space<vmem>>
      %dma_start3A_442 = arith.constant 0 : i32
      %dma_start3A_443 = arith.constant 0 : i32
      %dma_start3A_444 = tpu.memref_slice %arg6[%dma_start3A_442, %dma_start3A_443] : memref<365x128xf32, #tpu.memory_space<vmem_shared>> -> memref<365x128xf32, #tpu.memory_space<vmem_shared>>
      tpu.enqueue_indirect_dma source(%dma_start3A_444 : memref<365x128xf32, #tpu.memory_space<vmem_shared>>) target(%arg9 : memref<80x128xf32, #tpu.memory_space<vmem>>) offsets(%dma_start3A_441 : memref<80xi32, #tpu.memory_space<vmem>>) semaphore(%arg17 : memref<!tpu.dma_semaphore, #tpu.memory_space<semaphore_mem>>)
      %mul3A_445 = arith.constant 8 : i32
      %mul3A_446 = arith.muli %add3A_251, %mul3A_445 : i32
      %add3A_447 = arith.constant 3 : i32
      %add3A_448 = arith.addi %mul3A_446, %add3A_447 : i32
      %add3A_449 = arith.addi %mul3A_2, %add3A_448 : i32
      %mul3A_450 = arith.constant 80 : i32
      %mul3A_451 = arith.muli %add3A_449, %mul3A_450 : i32
      %dma_wait3A_452 = arith.constant 0 : i32
      %dma_wait3A_453 = tpu.memref_slice %arg4[%mul3A_451, %dma_wait3A_452] : memref<819200x128xf32, #tpu.memory_space<hbm>> -> memref<80x128xf32, #tpu.memory_space<hbm>>
      %dma_wait3A_454 = arith.constant 0 : i32
      %dma_wait3A_455 = tpu.memref_slice %arg4[%mul3A_451, %dma_wait3A_454] : memref<819200x128xf32, #tpu.memory_space<hbm>> -> memref<80x128xf32, #tpu.memory_space<hbm>>
      tpu.wait_dma2 semaphore(%arg26 : memref<!tpu.dma_semaphore, #tpu.memory_space<semaphore_mem>>) src(%arg10 : memref<80x128xf32, #tpu.memory_space<vmem>>) dst(%dma_wait3A_455 : memref<80x128xf32, #tpu.memory_space<hbm>>)
      %add3A_456 = arith.constant 8 : i32
      %add3A_457 = arith.addi %add3A_448, %add3A_456 : i32
      %dma_start3A_458 = arith.constant 0 : i32
      %dma_start3A_459 = tpu.memref_slice %arg5[%add3A_457, %dma_start3A_458] : memref<320x80xi32, #tpu.memory_space<vmem>> -> memref<1x80xi32, #tpu.memory_space<vmem>>
      %dma_start3A_460 = tpu.memref_squeeze %dma_start3A_459 : memref<1x80xi32, #tpu.memory_space<vmem>> -> memref<80xi32, #tpu.memory_space<vmem>>
      %dma_start3A_461 = arith.constant 0 : i32
      %dma_start3A_462 = arith.constant 0 : i32
      %dma_start3A_463 = tpu.memref_slice %arg6[%dma_start3A_461, %dma_start3A_462] : memref<365x128xf32, #tpu.memory_space<vmem_shared>> -> memref<365x128xf32, #tpu.memory_space<vmem_shared>>
      tpu.enqueue_indirect_dma source(%dma_start3A_463 : memref<365x128xf32, #tpu.memory_space<vmem_shared>>) target(%arg10 : memref<80x128xf32, #tpu.memory_space<vmem>>) offsets(%dma_start3A_460 : memref<80xi32, #tpu.memory_space<vmem>>) semaphore(%arg18 : memref<!tpu.dma_semaphore, #tpu.memory_space<semaphore_mem>>)
      %mul3A_464 = arith.constant 8 : i32
      %mul3A_465 = arith.muli %add3A_251, %mul3A_464 : i32
      %add3A_466 = arith.constant 4 : i32
      %add3A_467 = arith.addi %mul3A_465, %add3A_466 : i32
      %add3A_468 = arith.addi %mul3A_2, %add3A_467 : i32
      %mul3A_469 = arith.constant 80 : i32
      %mul3A_470 = arith.muli %add3A_468, %mul3A_469 : i32
      %dma_wait3A_471 = arith.constant 0 : i32
      %dma_wait3A_472 = tpu.memref_slice %arg4[%mul3A_470, %dma_wait3A_471] : memref<819200x128xf32, #tpu.memory_space<hbm>> -> memref<80x128xf32, #tpu.memory_space<hbm>>
      %dma_wait3A_473 = arith.constant 0 : i32
      %dma_wait3A_474 = tpu.memref_slice %arg4[%mul3A_470, %dma_wait3A_473] : memref<819200x128xf32, #tpu.memory_space<hbm>> -> memref<80x128xf32, #tpu.memory_space<hbm>>
      tpu.wait_dma2 semaphore(%arg27 : memref<!tpu.dma_semaphore, #tpu.memory_space<semaphore_mem>>) src(%arg11 : memref<80x128xf32, #tpu.memory_space<vmem>>) dst(%dma_wait3A_474 : memref<80x128xf32, #tpu.memory_space<hbm>>)
      %add3A_475 = arith.constant 8 : i32
      %add3A_476 = arith.addi %add3A_467, %add3A_475 : i32
      %dma_start3A_477 = arith.constant 0 : i32
      %dma_start3A_478 = tpu.memref_slice %arg5[%add3A_476, %dma_start3A_477] : memref<320x80xi32, #tpu.memory_space<vmem>> -> memref<1x80xi32, #tpu.memory_space<vmem>>
      %dma_start3A_479 = tpu.memref_squeeze %dma_start3A_478 : memref<1x80xi32, #tpu.memory_space<vmem>> -> memref<80xi32, #tpu.memory_space<vmem>>
      %dma_start3A_480 = arith.constant 0 : i32
      %dma_start3A_481 = arith.constant 0 : i32
      %dma_start3A_482 = tpu.memref_slice %arg6[%dma_start3A_480, %dma_start3A_481] : memref<365x128xf32, #tpu.memory_space<vmem_shared>> -> memref<365x128xf32, #tpu.memory_space<vmem_shared>>
      tpu.enqueue_indirect_dma source(%dma_start3A_482 : memref<365x128xf32, #tpu.memory_space<vmem_shared>>) target(%arg11 : memref<80x128xf32, #tpu.memory_space<vmem>>) offsets(%dma_start3A_479 : memref<80xi32, #tpu.memory_space<vmem>>) semaphore(%arg19 : memref<!tpu.dma_semaphore, #tpu.memory_space<semaphore_mem>>)
      %mul3A_483 = arith.constant 8 : i32
      %mul3A_484 = arith.muli %add3A_251, %mul3A_483 : i32
      %add3A_485 = arith.constant 5 : i32
      %add3A_486 = arith.addi %mul3A_484, %add3A_485 : i32
      %add3A_487 = arith.addi %mul3A_2, %add3A_486 : i32
      %mul3A_488 = arith.constant 80 : i32
      %mul3A_489 = arith.muli %add3A_487, %mul3A_488 : i32
      %dma_wait3A_490 = arith.constant 0 : i32
      %dma_wait3A_491 = tpu.memref_slice %arg4[%mul3A_489, %dma_wait3A_490] : memref<819200x128xf32, #tpu.memory_space<hbm>> -> memref<80x128xf32, #tpu.memory_space<hbm>>
      %dma_wait3A_492 = arith.constant 0 : i32
      %dma_wait3A_493 = tpu.memref_slice %arg4[%mul3A_489, %dma_wait3A_492] : memref<819200x128xf32, #tpu.memory_space<hbm>> -> memref<80x128xf32, #tpu.memory_space<hbm>>
      tpu.wait_dma2 semaphore(%arg28 : memref<!tpu.dma_semaphore, #tpu.memory_space<semaphore_mem>>) src(%arg12 : memref<80x128xf32, #tpu.memory_space<vmem>>) dst(%dma_wait3A_493 : memref<80x128xf32, #tpu.memory_space<hbm>>)
      %add3A_494 = arith.constant 8 : i32
      %add3A_495 = arith.addi %add3A_486, %add3A_494 : i32
      %dma_start3A_496 = arith.constant 0 : i32
      %dma_start3A_497 = tpu.memref_slice %arg5[%add3A_495, %dma_start3A_496] : memref<320x80xi32, #tpu.memory_space<vmem>> -> memref<1x80xi32, #tpu.memory_space<vmem>>
      %dma_start3A_498 = tpu.memref_squeeze %dma_start3A_497 : memref<1x80xi32, #tpu.memory_space<vmem>> -> memref<80xi32, #tpu.memory_space<vmem>>
      %dma_start3A_499 = arith.constant 0 : i32
      %dma_start3A_500 = arith.constant 0 : i32
      %dma_start3A_501 = tpu.memref_slice %arg6[%dma_start3A_499, %dma_start3A_500] : memref<365x128xf32, #tpu.memory_space<vmem_shared>> -> memref<365x128xf32, #tpu.memory_space<vmem_shared>>
      tpu.enqueue_indirect_dma source(%dma_start3A_501 : memref<365x128xf32, #tpu.memory_space<vmem_shared>>) target(%arg12 : memref<80x128xf32, #tpu.memory_space<vmem>>) offsets(%dma_start3A_498 : memref<80xi32, #tpu.memory_space<vmem>>) semaphore(%arg20 : memref<!tpu.dma_semaphore, #tpu.memory_space<semaphore_mem>>)
      %mul3A_502 = arith.constant 8 : i32
      %mul3A_503 = arith.muli %add3A_251, %mul3A_502 : i32
      %add3A_504 = arith.constant 6 : i32
      %add3A_505 = arith.addi %mul3A_503, %add3A_504 : i32
      %add3A_506 = arith.addi %mul3A_2, %add3A_505 : i32
      %mul3A_507 = arith.constant 80 : i32
      %mul3A_508 = arith.muli %add3A_506, %mul3A_507 : i32
      %dma_wait3A_509 = arith.constant 0 : i32
      %dma_wait3A_510 = tpu.memref_slice %arg4[%mul3A_508, %dma_wait3A_509] : memref<819200x128xf32, #tpu.memory_space<hbm>> -> memref<80x128xf32, #tpu.memory_space<hbm>>
      %dma_wait3A_511 = arith.constant 0 : i32
      %dma_wait3A_512 = tpu.memref_slice %arg4[%mul3A_508, %dma_wait3A_511] : memref<819200x128xf32, #tpu.memory_space<hbm>> -> memref<80x128xf32, #tpu.memory_space<hbm>>
      tpu.wait_dma2 semaphore(%arg29 : memref<!tpu.dma_semaphore, #tpu.memory_space<semaphore_mem>>) src(%arg13 : memref<80x128xf32, #tpu.memory_space<vmem>>) dst(%dma_wait3A_512 : memref<80x128xf32, #tpu.memory_space<hbm>>)
      %add3A_513 = arith.constant 8 : i32
      %add3A_514 = arith.addi %add3A_505, %add3A_513 : i32
      %dma_start3A_515 = arith.constant 0 : i32
      %dma_start3A_516 = tpu.memref_slice %arg5[%add3A_514, %dma_start3A_515] : memref<320x80xi32, #tpu.memory_space<vmem>> -> memref<1x80xi32, #tpu.memory_space<vmem>>
      %dma_start3A_517 = tpu.memref_squeeze %dma_start3A_516 : memref<1x80xi32, #tpu.memory_space<vmem>> -> memref<80xi32, #tpu.memory_space<vmem>>
      %dma_start3A_518 = arith.constant 0 : i32
      %dma_start3A_519 = arith.constant 0 : i32
      %dma_start3A_520 = tpu.memref_slice %arg6[%dma_start3A_518, %dma_start3A_519] : memref<365x128xf32, #tpu.memory_space<vmem_shared>> -> memref<365x128xf32, #tpu.memory_space<vmem_shared>>
      tpu.enqueue_indirect_dma source(%dma_start3A_520 : memref<365x128xf32, #tpu.memory_space<vmem_shared>>) target(%arg13 : memref<80x128xf32, #tpu.memory_space<vmem>>) offsets(%dma_start3A_517 : memref<80xi32, #tpu.memory_space<vmem>>) semaphore(%arg21 : memref<!tpu.dma_semaphore, #tpu.memory_space<semaphore_mem>>)
      %mul3A_521 = arith.constant 8 : i32
      %mul3A_522 = arith.muli %add3A_251, %mul3A_521 : i32
      %add3A_523 = arith.constant 7 : i32
      %add3A_524 = arith.addi %mul3A_522, %add3A_523 : i32
      %add3A_525 = arith.addi %mul3A_2, %add3A_524 : i32
      %mul3A_526 = arith.constant 80 : i32
      %mul3A_527 = arith.muli %add3A_525, %mul3A_526 : i32
      %dma_wait3A_528 = arith.constant 0 : i32
      %dma_wait3A_529 = tpu.memref_slice %arg4[%mul3A_527, %dma_wait3A_528] : memref<819200x128xf32, #tpu.memory_space<hbm>> -> memref<80x128xf32, #tpu.memory_space<hbm>>
      %dma_wait3A_530 = arith.constant 0 : i32
      %dma_wait3A_531 = tpu.memref_slice %arg4[%mul3A_527, %dma_wait3A_530] : memref<819200x128xf32, #tpu.memory_space<hbm>> -> memref<80x128xf32, #tpu.memory_space<hbm>>
      tpu.wait_dma2 semaphore(%arg30 : memref<!tpu.dma_semaphore, #tpu.memory_space<semaphore_mem>>) src(%arg14 : memref<80x128xf32, #tpu.memory_space<vmem>>) dst(%dma_wait3A_531 : memref<80x128xf32, #tpu.memory_space<hbm>>)
      %add3A_532 = arith.constant 8 : i32
      %add3A_533 = arith.addi %add3A_524, %add3A_532 : i32
      %dma_start3A_534 = arith.constant 0 : i32
      %dma_start3A_535 = tpu.memref_slice %arg5[%add3A_533, %dma_start3A_534] : memref<320x80xi32, #tpu.memory_space<vmem>> -> memref<1x80xi32, #tpu.memory_space<vmem>>
      %dma_start3A_536 = tpu.memref_squeeze %dma_start3A_535 : memref<1x80xi32, #tpu.memory_space<vmem>> -> memref<80xi32, #tpu.memory_space<vmem>>
      %dma_start3A_537 = arith.constant 0 : i32
      %dma_start3A_538 = arith.constant 0 : i32
      %dma_start3A_539 = tpu.memref_slice %arg6[%dma_start3A_537, %dma_start3A_538] : memref<365x128xf32, #tpu.memory_space<vmem_shared>> -> memref<365x128xf32, #tpu.memory_space<vmem_shared>>
      tpu.enqueue_indirect_dma source(%dma_start3A_539 : memref<365x128xf32, #tpu.memory_space<vmem_shared>>) target(%arg14 : memref<80x128xf32, #tpu.memory_space<vmem>>) offsets(%dma_start3A_536 : memref<80xi32, #tpu.memory_space<vmem>>) semaphore(%arg22 : memref<!tpu.dma_semaphore, #tpu.memory_space<semaphore_mem>>)
    }
    %scan3A_63 = arith.constant 39 : i32
    %dma_wait3A = arith.constant 312 : i32
    %dma_wait3A_64 = arith.constant 0 : i32
    %dma_wait3A_65 = tpu.memref_slice %arg5[%dma_wait3A, %dma_wait3A_64] : memref<320x80xi32, #tpu.memory_space<vmem>> -> memref<1x80xi32, #tpu.memory_space<vmem>>
    %dma_wait3A_66 = tpu.memref_squeeze %dma_wait3A_65 : memref<1x80xi32, #tpu.memory_space<vmem>> -> memref<80xi32, #tpu.memory_space<vmem>>
    %dma_wait3A_67 = arith.constant 0 : i32
    %dma_wait3A_68 = arith.constant 0 : i32
    %dma_wait3A_69 = tpu.memref_slice %arg6[%dma_wait3A_67, %dma_wait3A_68] : memref<365x128xf32, #tpu.memory_space<vmem_shared>> -> memref<365x128xf32, #tpu.memory_space<vmem_shared>>
    tpu.wait_indirect_dma semaphore(%arg15 : memref<!tpu.dma_semaphore, #tpu.memory_space<semaphore_mem>>) src(%dma_wait3A_69 : memref<365x128xf32, #tpu.memory_space<vmem_shared>>) dst(%arg7 : memref<80x128xf32, #tpu.memory_space<vmem>>)
    %add3A_70 = arith.constant 312 : i32
    %add3A_71 = arith.addi %mul3A_2, %add3A_70 : i32
    %mul3A_72 = arith.constant 80 : i32
    %mul3A_73 = arith.muli %add3A_71, %mul3A_72 : i32
    %dma_start3A_74 = arith.constant 0 : i32
    %dma_start3A_75 = tpu.memref_slice %arg4[%mul3A_73, %dma_start3A_74] : memref<819200x128xf32, #tpu.memory_space<hbm>> -> memref<80x128xf32, #tpu.memory_space<hbm>>
    %dma_start3A_76 = arith.constant 0 : i32
    %dma_start3A_77 = tpu.memref_slice %arg4[%mul3A_73, %dma_start3A_76] : memref<819200x128xf32, #tpu.memory_space<hbm>> -> memref<80x128xf32, #tpu.memory_space<hbm>>
    tpu.enqueue_dma source(%arg7 : memref<80x128xf32, #tpu.memory_space<vmem>>) target(%dma_start3A_77 : memref<80x128xf32, #tpu.memory_space<hbm>>) target_semaphore(%arg23 : memref<!tpu.dma_semaphore, #tpu.memory_space<semaphore_mem>>)
    %dma_wait3A_78 = arith.constant 313 : i32
    %dma_wait3A_79 = arith.constant 0 : i32
    %dma_wait3A_80 = tpu.memref_slice %arg5[%dma_wait3A_78, %dma_wait3A_79] : memref<320x80xi32, #tpu.memory_space<vmem>> -> memref<1x80xi32, #tpu.memory_space<vmem>>
    %dma_wait3A_81 = tpu.memref_squeeze %dma_wait3A_80 : memref<1x80xi32, #tpu.memory_space<vmem>> -> memref<80xi32, #tpu.memory_space<vmem>>
    %dma_wait3A_82 = arith.constant 0 : i32
    %dma_wait3A_83 = arith.constant 0 : i32
    %dma_wait3A_84 = tpu.memref_slice %arg6[%dma_wait3A_82, %dma_wait3A_83] : memref<365x128xf32, #tpu.memory_space<vmem_shared>> -> memref<365x128xf32, #tpu.memory_space<vmem_shared>>
    tpu.wait_indirect_dma semaphore(%arg16 : memref<!tpu.dma_semaphore, #tpu.memory_space<semaphore_mem>>) src(%dma_wait3A_84 : memref<365x128xf32, #tpu.memory_space<vmem_shared>>) dst(%arg8 : memref<80x128xf32, #tpu.memory_space<vmem>>)
    %add3A_85 = arith.constant 313 : i32
    %add3A_86 = arith.addi %mul3A_2, %add3A_85 : i32
    %mul3A_87 = arith.constant 80 : i32
    %mul3A_88 = arith.muli %add3A_86, %mul3A_87 : i32
    %dma_start3A_89 = arith.constant 0 : i32
    %dma_start3A_90 = tpu.memref_slice %arg4[%mul3A_88, %dma_start3A_89] : memref<819200x128xf32, #tpu.memory_space<hbm>> -> memref<80x128xf32, #tpu.memory_space<hbm>>
    %dma_start3A_91 = arith.constant 0 : i32
    %dma_start3A_92 = tpu.memref_slice %arg4[%mul3A_88, %dma_start3A_91] : memref<819200x128xf32, #tpu.memory_space<hbm>> -> memref<80x128xf32, #tpu.memory_space<hbm>>
    tpu.enqueue_dma source(%arg8 : memref<80x128xf32, #tpu.memory_space<vmem>>) target(%dma_start3A_92 : memref<80x128xf32, #tpu.memory_space<hbm>>) target_semaphore(%arg24 : memref<!tpu.dma_semaphore, #tpu.memory_space<semaphore_mem>>)
    %dma_wait3A_93 = arith.constant 314 : i32
    %dma_wait3A_94 = arith.constant 0 : i32
    %dma_wait3A_95 = tpu.memref_slice %arg5[%dma_wait3A_93, %dma_wait3A_94] : memref<320x80xi32, #tpu.memory_space<vmem>> -> memref<1x80xi32, #tpu.memory_space<vmem>>
    %dma_wait3A_96 = tpu.memref_squeeze %dma_wait3A_95 : memref<1x80xi32, #tpu.memory_space<vmem>> -> memref<80xi32, #tpu.memory_space<vmem>>
    %dma_wait3A_97 = arith.constant 0 : i32
    %dma_wait3A_98 = arith.constant 0 : i32
    %dma_wait3A_99 = tpu.memref_slice %arg6[%dma_wait3A_97, %dma_wait3A_98] : memref<365x128xf32, #tpu.memory_space<vmem_shared>> -> memref<365x128xf32, #tpu.memory_space<vmem_shared>>
    tpu.wait_indirect_dma semaphore(%arg17 : memref<!tpu.dma_semaphore, #tpu.memory_space<semaphore_mem>>) src(%dma_wait3A_99 : memref<365x128xf32, #tpu.memory_space<vmem_shared>>) dst(%arg9 : memref<80x128xf32, #tpu.memory_space<vmem>>)
    %add3A_100 = arith.constant 314 : i32
    %add3A_101 = arith.addi %mul3A_2, %add3A_100 : i32
    %mul3A_102 = arith.constant 80 : i32
    %mul3A_103 = arith.muli %add3A_101, %mul3A_102 : i32
    %dma_start3A_104 = arith.constant 0 : i32
    %dma_start3A_105 = tpu.memref_slice %arg4[%mul3A_103, %dma_start3A_104] : memref<819200x128xf32, #tpu.memory_space<hbm>> -> memref<80x128xf32, #tpu.memory_space<hbm>>
    %dma_start3A_106 = arith.constant 0 : i32
    %dma_start3A_107 = tpu.memref_slice %arg4[%mul3A_103, %dma_start3A_106] : memref<819200x128xf32, #tpu.memory_space<hbm>> -> memref<80x128xf32, #tpu.memory_space<hbm>>
    tpu.enqueue_dma source(%arg9 : memref<80x128xf32, #tpu.memory_space<vmem>>) target(%dma_start3A_107 : memref<80x128xf32, #tpu.memory_space<hbm>>) target_semaphore(%arg25 : memref<!tpu.dma_semaphore, #tpu.memory_space<semaphore_mem>>)
    %dma_wait3A_108 = arith.constant 315 : i32
    %dma_wait3A_109 = arith.constant 0 : i32
    %dma_wait3A_110 = tpu.memref_slice %arg5[%dma_wait3A_108, %dma_wait3A_109] : memref<320x80xi32, #tpu.memory_space<vmem>> -> memref<1x80xi32, #tpu.memory_space<vmem>>
    %dma_wait3A_111 = tpu.memref_squeeze %dma_wait3A_110 : memref<1x80xi32, #tpu.memory_space<vmem>> -> memref<80xi32, #tpu.memory_space<vmem>>
    %dma_wait3A_112 = arith.constant 0 : i32
    %dma_wait3A_113 = arith.constant 0 : i32
    %dma_wait3A_114 = tpu.memref_slice %arg6[%dma_wait3A_112, %dma_wait3A_113] : memref<365x128xf32, #tpu.memory_space<vmem_shared>> -> memref<365x128xf32, #tpu.memory_space<vmem_shared>>
    tpu.wait_indirect_dma semaphore(%arg18 : memref<!tpu.dma_semaphore, #tpu.memory_space<semaphore_mem>>) src(%dma_wait3A_114 : memref<365x128xf32, #tpu.memory_space<vmem_shared>>) dst(%arg10 : memref<80x128xf32, #tpu.memory_space<vmem>>)
    %add3A_115 = arith.constant 315 : i32
    %add3A_116 = arith.addi %mul3A_2, %add3A_115 : i32
    %mul3A_117 = arith.constant 80 : i32
    %mul3A_118 = arith.muli %add3A_116, %mul3A_117 : i32
    %dma_start3A_119 = arith.constant 0 : i32
    %dma_start3A_120 = tpu.memref_slice %arg4[%mul3A_118, %dma_start3A_119] : memref<819200x128xf32, #tpu.memory_space<hbm>> -> memref<80x128xf32, #tpu.memory_space<hbm>>
    %dma_start3A_121 = arith.constant 0 : i32
    %dma_start3A_122 = tpu.memref_slice %arg4[%mul3A_118, %dma_start3A_121] : memref<819200x128xf32, #tpu.memory_space<hbm>> -> memref<80x128xf32, #tpu.memory_space<hbm>>
    tpu.enqueue_dma source(%arg10 : memref<80x128xf32, #tpu.memory_space<vmem>>) target(%dma_start3A_122 : memref<80x128xf32, #tpu.memory_space<hbm>>) target_semaphore(%arg26 : memref<!tpu.dma_semaphore, #tpu.memory_space<semaphore_mem>>)
    %dma_wait3A_123 = arith.constant 316 : i32
    %dma_wait3A_124 = arith.constant 0 : i32
    %dma_wait3A_125 = tpu.memref_slice %arg5[%dma_wait3A_123, %dma_wait3A_124] : memref<320x80xi32, #tpu.memory_space<vmem>> -> memref<1x80xi32, #tpu.memory_space<vmem>>
    %dma_wait3A_126 = tpu.memref_squeeze %dma_wait3A_125 : memref<1x80xi32, #tpu.memory_space<vmem>> -> memref<80xi32, #tpu.memory_space<vmem>>
    %dma_wait3A_127 = arith.constant 0 : i32
    %dma_wait3A_128 = arith.constant 0 : i32
    %dma_wait3A_129 = tpu.memref_slice %arg6[%dma_wait3A_127, %dma_wait3A_128] : memref<365x128xf32, #tpu.memory_space<vmem_shared>> -> memref<365x128xf32, #tpu.memory_space<vmem_shared>>
    tpu.wait_indirect_dma semaphore(%arg19 : memref<!tpu.dma_semaphore, #tpu.memory_space<semaphore_mem>>) src(%dma_wait3A_129 : memref<365x128xf32, #tpu.memory_space<vmem_shared>>) dst(%arg11 : memref<80x128xf32, #tpu.memory_space<vmem>>)
    %add3A_130 = arith.constant 316 : i32
    %add3A_131 = arith.addi %mul3A_2, %add3A_130 : i32
    %mul3A_132 = arith.constant 80 : i32
    %mul3A_133 = arith.muli %add3A_131, %mul3A_132 : i32
    %dma_start3A_134 = arith.constant 0 : i32
    %dma_start3A_135 = tpu.memref_slice %arg4[%mul3A_133, %dma_start3A_134] : memref<819200x128xf32, #tpu.memory_space<hbm>> -> memref<80x128xf32, #tpu.memory_space<hbm>>
    %dma_start3A_136 = arith.constant 0 : i32
    %dma_start3A_137 = tpu.memref_slice %arg4[%mul3A_133, %dma_start3A_136] : memref<819200x128xf32, #tpu.memory_space<hbm>> -> memref<80x128xf32, #tpu.memory_space<hbm>>
    tpu.enqueue_dma source(%arg11 : memref<80x128xf32, #tpu.memory_space<vmem>>) target(%dma_start3A_137 : memref<80x128xf32, #tpu.memory_space<hbm>>) target_semaphore(%arg27 : memref<!tpu.dma_semaphore, #tpu.memory_space<semaphore_mem>>)
    %dma_wait3A_138 = arith.constant 317 : i32
    %dma_wait3A_139 = arith.constant 0 : i32
    %dma_wait3A_140 = tpu.memref_slice %arg5[%dma_wait3A_138, %dma_wait3A_139] : memref<320x80xi32, #tpu.memory_space<vmem>> -> memref<1x80xi32, #tpu.memory_space<vmem>>
    %dma_wait3A_141 = tpu.memref_squeeze %dma_wait3A_140 : memref<1x80xi32, #tpu.memory_space<vmem>> -> memref<80xi32, #tpu.memory_space<vmem>>
    %dma_wait3A_142 = arith.constant 0 : i32
    %dma_wait3A_143 = arith.constant 0 : i32
    %dma_wait3A_144 = tpu.memref_slice %arg6[%dma_wait3A_142, %dma_wait3A_143] : memref<365x128xf32, #tpu.memory_space<vmem_shared>> -> memref<365x128xf32, #tpu.memory_space<vmem_shared>>
    tpu.wait_indirect_dma semaphore(%arg20 : memref<!tpu.dma_semaphore, #tpu.memory_space<semaphore_mem>>) src(%dma_wait3A_144 : memref<365x128xf32, #tpu.memory_space<vmem_shared>>) dst(%arg12 : memref<80x128xf32, #tpu.memory_space<vmem>>)
    %add3A_145 = arith.constant 317 : i32
    %add3A_146 = arith.addi %mul3A_2, %add3A_145 : i32
    %mul3A_147 = arith.constant 80 : i32
    %mul3A_148 = arith.muli %add3A_146, %mul3A_147 : i32
    %dma_start3A_149 = arith.constant 0 : i32
    %dma_start3A_150 = tpu.memref_slice %arg4[%mul3A_148, %dma_start3A_149] : memref<819200x128xf32, #tpu.memory_space<hbm>> -> memref<80x128xf32, #tpu.memory_space<hbm>>
    %dma_start3A_151 = arith.constant 0 : i32
    %dma_start3A_152 = tpu.memref_slice %arg4[%mul3A_148, %dma_start3A_151] : memref<819200x128xf32, #tpu.memory_space<hbm>> -> memref<80x128xf32, #tpu.memory_space<hbm>>
    tpu.enqueue_dma source(%arg12 : memref<80x128xf32, #tpu.memory_space<vmem>>) target(%dma_start3A_152 : memref<80x128xf32, #tpu.memory_space<hbm>>) target_semaphore(%arg28 : memref<!tpu.dma_semaphore, #tpu.memory_space<semaphore_mem>>)
    %dma_wait3A_153 = arith.constant 318 : i32
    %dma_wait3A_154 = arith.constant 0 : i32
    %dma_wait3A_155 = tpu.memref_slice %arg5[%dma_wait3A_153, %dma_wait3A_154] : memref<320x80xi32, #tpu.memory_space<vmem>> -> memref<1x80xi32, #tpu.memory_space<vmem>>
    %dma_wait3A_156 = tpu.memref_squeeze %dma_wait3A_155 : memref<1x80xi32, #tpu.memory_space<vmem>> -> memref<80xi32, #tpu.memory_space<vmem>>
    %dma_wait3A_157 = arith.constant 0 : i32
    %dma_wait3A_158 = arith.constant 0 : i32
    %dma_wait3A_159 = tpu.memref_slice %arg6[%dma_wait3A_157, %dma_wait3A_158] : memref<365x128xf32, #tpu.memory_space<vmem_shared>> -> memref<365x128xf32, #tpu.memory_space<vmem_shared>>
    tpu.wait_indirect_dma semaphore(%arg21 : memref<!tpu.dma_semaphore, #tpu.memory_space<semaphore_mem>>) src(%dma_wait3A_159 : memref<365x128xf32, #tpu.memory_space<vmem_shared>>) dst(%arg13 : memref<80x128xf32, #tpu.memory_space<vmem>>)
    %add3A_160 = arith.constant 318 : i32
    %add3A_161 = arith.addi %mul3A_2, %add3A_160 : i32
    %mul3A_162 = arith.constant 80 : i32
    %mul3A_163 = arith.muli %add3A_161, %mul3A_162 : i32
    %dma_start3A_164 = arith.constant 0 : i32
    %dma_start3A_165 = tpu.memref_slice %arg4[%mul3A_163, %dma_start3A_164] : memref<819200x128xf32, #tpu.memory_space<hbm>> -> memref<80x128xf32, #tpu.memory_space<hbm>>
    %dma_start3A_166 = arith.constant 0 : i32
    %dma_start3A_167 = tpu.memref_slice %arg4[%mul3A_163, %dma_start3A_166] : memref<819200x128xf32, #tpu.memory_space<hbm>> -> memref<80x128xf32, #tpu.memory_space<hbm>>
    tpu.enqueue_dma source(%arg13 : memref<80x128xf32, #tpu.memory_space<vmem>>) target(%dma_start3A_167 : memref<80x128xf32, #tpu.memory_space<hbm>>) target_semaphore(%arg29 : memref<!tpu.dma_semaphore, #tpu.memory_space<semaphore_mem>>)
    %dma_wait3A_168 = arith.constant 319 : i32
    %dma_wait3A_169 = arith.constant 0 : i32
    %dma_wait3A_170 = tpu.memref_slice %arg5[%dma_wait3A_168, %dma_wait3A_169] : memref<320x80xi32, #tpu.memory_space<vmem>> -> memref<1x80xi32, #tpu.memory_space<vmem>>
    %dma_wait3A_171 = tpu.memref_squeeze %dma_wait3A_170 : memref<1x80xi32, #tpu.memory_space<vmem>> -> memref<80xi32, #tpu.memory_space<vmem>>
    %dma_wait3A_172 = arith.constant 0 : i32
    %dma_wait3A_173 = arith.constant 0 : i32
    %dma_wait3A_174 = tpu.memref_slice %arg6[%dma_wait3A_172, %dma_wait3A_173] : memref<365x128xf32, #tpu.memory_space<vmem_shared>> -> memref<365x128xf32, #tpu.memory_space<vmem_shared>>
    tpu.wait_indirect_dma semaphore(%arg22 : memref<!tpu.dma_semaphore, #tpu.memory_space<semaphore_mem>>) src(%dma_wait3A_174 : memref<365x128xf32, #tpu.memory_space<vmem_shared>>) dst(%arg14 : memref<80x128xf32, #tpu.memory_space<vmem>>)
    %add3A_175 = arith.constant 319 : i32
    %add3A_176 = arith.addi %mul3A_2, %add3A_175 : i32
    %mul3A_177 = arith.constant 80 : i32
    %mul3A_178 = arith.muli %add3A_176, %mul3A_177 : i32
    %dma_start3A_179 = arith.constant 0 : i32
    %dma_start3A_180 = tpu.memref_slice %arg4[%mul3A_178, %dma_start3A_179] : memref<819200x128xf32, #tpu.memory_space<hbm>> -> memref<80x128xf32, #tpu.memory_space<hbm>>
    %dma_start3A_181 = arith.constant 0 : i32
    %dma_start3A_182 = tpu.memref_slice %arg4[%mul3A_178, %dma_start3A_181] : memref<819200x128xf32, #tpu.memory_space<hbm>> -> memref<80x128xf32, #tpu.memory_space<hbm>>
    tpu.enqueue_dma source(%arg14 : memref<80x128xf32, #tpu.memory_space<vmem>>) target(%dma_start3A_182 : memref<80x128xf32, #tpu.memory_space<hbm>>) target_semaphore(%arg30 : memref<!tpu.dma_semaphore, #tpu.memory_space<semaphore_mem>>)
    %add3A_183 = arith.constant 312 : i32
    %add3A_184 = arith.addi %mul3A_2, %add3A_183 : i32
    %mul3A_185 = arith.constant 80 : i32
    %mul3A_186 = arith.muli %add3A_184, %mul3A_185 : i32
    %dma_wait3A_187 = arith.constant 0 : i32
    %dma_wait3A_188 = tpu.memref_slice %arg4[%mul3A_186, %dma_wait3A_187] : memref<819200x128xf32, #tpu.memory_space<hbm>> -> memref<80x128xf32, #tpu.memory_space<hbm>>
    %dma_wait3A_189 = arith.constant 0 : i32
    %dma_wait3A_190 = tpu.memref_slice %arg4[%mul3A_186, %dma_wait3A_189] : memref<819200x128xf32, #tpu.memory_space<hbm>> -> memref<80x128xf32, #tpu.memory_space<hbm>>
    tpu.wait_dma2 semaphore(%arg23 : memref<!tpu.dma_semaphore, #tpu.memory_space<semaphore_mem>>) src(%arg7 : memref<80x128xf32, #tpu.memory_space<vmem>>) dst(%dma_wait3A_190 : memref<80x128xf32, #tpu.memory_space<hbm>>)
    %add3A_191 = arith.constant 313 : i32
    %add3A_192 = arith.addi %mul3A_2, %add3A_191 : i32
    %mul3A_193 = arith.constant 80 : i32
    %mul3A_194 = arith.muli %add3A_192, %mul3A_193 : i32
    %dma_wait3A_195 = arith.constant 0 : i32
    %dma_wait3A_196 = tpu.memref_slice %arg4[%mul3A_194, %dma_wait3A_195] : memref<819200x128xf32, #tpu.memory_space<hbm>> -> memref<80x128xf32, #tpu.memory_space<hbm>>
    %dma_wait3A_197 = arith.constant 0 : i32
    %dma_wait3A_198 = tpu.memref_slice %arg4[%mul3A_194, %dma_wait3A_197] : memref<819200x128xf32, #tpu.memory_space<hbm>> -> memref<80x128xf32, #tpu.memory_space<hbm>>
    tpu.wait_dma2 semaphore(%arg24 : memref<!tpu.dma_semaphore, #tpu.memory_space<semaphore_mem>>) src(%arg8 : memref<80x128xf32, #tpu.memory_space<vmem>>) dst(%dma_wait3A_198 : memref<80x128xf32, #tpu.memory_space<hbm>>)
    %add3A_199 = arith.constant 314 : i32
    %add3A_200 = arith.addi %mul3A_2, %add3A_199 : i32
    %mul3A_201 = arith.constant 80 : i32
    %mul3A_202 = arith.muli %add3A_200, %mul3A_201 : i32
    %dma_wait3A_203 = arith.constant 0 : i32
    %dma_wait3A_204 = tpu.memref_slice %arg4[%mul3A_202, %dma_wait3A_203] : memref<819200x128xf32, #tpu.memory_space<hbm>> -> memref<80x128xf32, #tpu.memory_space<hbm>>
    %dma_wait3A_205 = arith.constant 0 : i32
    %dma_wait3A_206 = tpu.memref_slice %arg4[%mul3A_202, %dma_wait3A_205] : memref<819200x128xf32, #tpu.memory_space<hbm>> -> memref<80x128xf32, #tpu.memory_space<hbm>>
    tpu.wait_dma2 semaphore(%arg25 : memref<!tpu.dma_semaphore, #tpu.memory_space<semaphore_mem>>) src(%arg9 : memref<80x128xf32, #tpu.memory_space<vmem>>) dst(%dma_wait3A_206 : memref<80x128xf32, #tpu.memory_space<hbm>>)
    %add3A_207 = arith.constant 315 : i32
    %add3A_208 = arith.addi %mul3A_2, %add3A_207 : i32
    %mul3A_209 = arith.constant 80 : i32
    %mul3A_210 = arith.muli %add3A_208, %mul3A_209 : i32
    %dma_wait3A_211 = arith.constant 0 : i32
    %dma_wait3A_212 = tpu.memref_slice %arg4[%mul3A_210, %dma_wait3A_211] : memref<819200x128xf32, #tpu.memory_space<hbm>> -> memref<80x128xf32, #tpu.memory_space<hbm>>
    %dma_wait3A_213 = arith.constant 0 : i32
    %dma_wait3A_214 = tpu.memref_slice %arg4[%mul3A_210, %dma_wait3A_213] : memref<819200x128xf32, #tpu.memory_space<hbm>> -> memref<80x128xf32, #tpu.memory_space<hbm>>
    tpu.wait_dma2 semaphore(%arg26 : memref<!tpu.dma_semaphore, #tpu.memory_space<semaphore_mem>>) src(%arg10 : memref<80x128xf32, #tpu.memory_space<vmem>>) dst(%dma_wait3A_214 : memref<80x128xf32, #tpu.memory_space<hbm>>)
    %add3A_215 = arith.constant 316 : i32
    %add3A_216 = arith.addi %mul3A_2, %add3A_215 : i32
    %mul3A_217 = arith.constant 80 : i32
    %mul3A_218 = arith.muli %add3A_216, %mul3A_217 : i32
    %dma_wait3A_219 = arith.constant 0 : i32
    %dma_wait3A_220 = tpu.memref_slice %arg4[%mul3A_218, %dma_wait3A_219] : memref<819200x128xf32, #tpu.memory_space<hbm>> -> memref<80x128xf32, #tpu.memory_space<hbm>>
    %dma_wait3A_221 = arith.constant 0 : i32
    %dma_wait3A_222 = tpu.memref_slice %arg4[%mul3A_218, %dma_wait3A_221] : memref<819200x128xf32, #tpu.memory_space<hbm>> -> memref<80x128xf32, #tpu.memory_space<hbm>>
    tpu.wait_dma2 semaphore(%arg27 : memref<!tpu.dma_semaphore, #tpu.memory_space<semaphore_mem>>) src(%arg11 : memref<80x128xf32, #tpu.memory_space<vmem>>) dst(%dma_wait3A_222 : memref<80x128xf32, #tpu.memory_space<hbm>>)
    %add3A_223 = arith.constant 317 : i32
    %add3A_224 = arith.addi %mul3A_2, %add3A_223 : i32
    %mul3A_225 = arith.constant 80 : i32
    %mul3A_226 = arith.muli %add3A_224, %mul3A_225 : i32
    %dma_wait3A_227 = arith.constant 0 : i32
    %dma_wait3A_228 = tpu.memref_slice %arg4[%mul3A_226, %dma_wait3A_227] : memref<819200x128xf32, #tpu.memory_space<hbm>> -> memref<80x128xf32, #tpu.memory_space<hbm>>
    %dma_wait3A_229 = arith.constant 0 : i32
    %dma_wait3A_230 = tpu.memref_slice %arg4[%mul3A_226, %dma_wait3A_229] : memref<819200x128xf32, #tpu.memory_space<hbm>> -> memref<80x128xf32, #tpu.memory_space<hbm>>
    tpu.wait_dma2 semaphore(%arg28 : memref<!tpu.dma_semaphore, #tpu.memory_space<semaphore_mem>>) src(%arg12 : memref<80x128xf32, #tpu.memory_space<vmem>>) dst(%dma_wait3A_230 : memref<80x128xf32, #tpu.memory_space<hbm>>)
    %add3A_231 = arith.constant 318 : i32
    %add3A_232 = arith.addi %mul3A_2, %add3A_231 : i32
    %mul3A_233 = arith.constant 80 : i32
    %mul3A_234 = arith.muli %add3A_232, %mul3A_233 : i32
    %dma_wait3A_235 = arith.constant 0 : i32
    %dma_wait3A_236 = tpu.memref_slice %arg4[%mul3A_234, %dma_wait3A_235] : memref<819200x128xf32, #tpu.memory_space<hbm>> -> memref<80x128xf32, #tpu.memory_space<hbm>>
    %dma_wait3A_237 = arith.constant 0 : i32
    %dma_wait3A_238 = tpu.memref_slice %arg4[%mul3A_234, %dma_wait3A_237] : memref<819200x128xf32, #tpu.memory_space<hbm>> -> memref<80x128xf32, #tpu.memory_space<hbm>>
    tpu.wait_dma2 semaphore(%arg29 : memref<!tpu.dma_semaphore, #tpu.memory_space<semaphore_mem>>) src(%arg13 : memref<80x128xf32, #tpu.memory_space<vmem>>) dst(%dma_wait3A_238 : memref<80x128xf32, #tpu.memory_space<hbm>>)
    %add3A_239 = arith.constant 319 : i32
    %add3A_240 = arith.addi %mul3A_2, %add3A_239 : i32
    %mul3A_241 = arith.constant 80 : i32
    %mul3A_242 = arith.muli %add3A_240, %mul3A_241 : i32
    %dma_wait3A_243 = arith.constant 0 : i32
    %dma_wait3A_244 = tpu.memref_slice %arg4[%mul3A_242, %dma_wait3A_243] : memref<819200x128xf32, #tpu.memory_space<hbm>> -> memref<80x128xf32, #tpu.memory_space<hbm>>
    %dma_wait3A_245 = arith.constant 0 : i32
    %dma_wait3A_246 = tpu.memref_slice %arg4[%mul3A_242, %dma_wait3A_245] : memref<819200x128xf32, #tpu.memory_space<hbm>> -> memref<80x128xf32, #tpu.memory_space<hbm>>
    tpu.wait_dma2 semaphore(%arg30 : memref<!tpu.dma_semaphore, #tpu.memory_space<semaphore_mem>>) src(%arg14 : memref<80x128xf32, #tpu.memory_space<vmem>>) dst(%dma_wait3A_246 : memref<80x128xf32, #tpu.memory_space<hbm>>)
    return
  }
}

</mosaic_0001>

<sc_bundles>
// kernel: kernel.3.cloned.1.call-start
scs
__scs_entry_jumppad:
0x0: {  	(pc) =	sbr.rel $0x88, $3  }
0x1: {  	(tag) =	ssettag $0x0;
	lr =	simm.s32 $0x1  }
0x2: {  	[smem:$0x3F9F] =	sst lr;
	_ =	strace $0xD0000000  }
0x3: {  	_ = 	snop  }
0x4: {  	_ = 	snop  }
0x5: {  	_ = 	snop  }
0x6: {  	_ = 	snop  }
0x7: {  	_ = 	snop  }
__scs_overlays_trampoline_lowered:
0x8: {  	[smem:$0x3FAE] =	sst s0  }
0x9: {  	[smem:$0x3FAF] =	sst s1  }
0xa: {  	[smem:$0x3FB0] =	sst s2  }
0xb: {  	[smem:$0x3FB1] =	sst s3  }
0xc: {  	[smem:$0x3FB2] =	sst s4  }
0xd: {  	[smem:$0x3FB3] =	sst s5  }
0xe: {  	[smem:$0x3FB4] =	sst s6  }
0xf: {  	[smem:$0x3FB5] =	sst s7  }
0x10: {  	[smem:$0x3FB6] =	sst s8  }
0x11: {  	[smem:$0x3FB7] =	sst s9;
	s0 =	simm.s32 @!p0 $0x0  }
0x12: {  	s1 =	sld [smem:$0x3F9D];
	s0 =	simm.s32 @p0 $0x1  }
0x13: {  	[smem:$0x3FB8] =	sst s0;
	s0 =	simm.s32 @!p1 $0x0  }
0x14: {  	s2 =	sld [smem:$0x3F9C];
	s0 =	simm.s32 @p1 $0x1  }
0x15: {  	[smem:$0x3FB9] =	sst s0;
	s0 =	simm.s32 @!p2 $0x0  }
0x16: {  	s3 =	sld [smem:$0x3FDB];
	s0 =	simm.s32 @p2 $0x1  }
0x17: {  	s4 =	simm.s32 $0x1BF5;
	[smem:$0x3FBB] =	sst s0  }
0x18: {  	s0 =	sld [smem:$0x3F9E];
	_ =	swait.ge [sflag:s4], $0x0  }
0x19: {  	s7 =	sld [smem:$0x3F9F]  }
0x1a: {  	s8 =	sadd.s32 $0xFFFFE003, lr  }
0x1b: {  	s9 =	sadd.s32 $0xFFFFFEF7, lr;
	s5 =	simm.s32 $0xFFFFFFFF;
	p2 =	slt.u32 s8, $0xFFFFF086  }
0x1c: {  	p1 =	slt.u32 s9, $0xF7A;
	s5 =	simm.s32 @!p2 $0x0  }
0x1d: {  	s5 =	simm.s32 @p1 $0x1;
	p0 =	seq.s32 s7, s2  }
0x1e: {  	s7 =	smul.u32 @!p0 $0xF7A, s2;
	p2 =	seq.s32 @!p0 s5, $0x0  }
0x1f: {  	s9 =	smul.u32 $0xF7A, s1;
	s8 =	simm.s32 @!p0 $0x1BF5;
	p2 =	por !p2, p0  }
0x20: {  	[sflag:s8] =	ssyncset.s32 @!p0 $0xFFFFF086;
	s6 =	sadd.s32 @!p0 s3, s7;
	s7 =	simm.s32 @!p0 $0x108  }
0x21: {  	s3 =	sadd.s32 s3, s9;
	s6 =	sadd.s32 @!p0 $0x88, s6;
	s7 =	simm.s32 @p2 $0x1082  }
0x22: {  	[simem:s7], [sflag:s8] =	dma.local @!p0 [hbm:s6], $0xF7A  }
0x23: {  	s9 =	sor.u32 $0xD0000000, s2;
	s6 =	simm.s32 $0x108;
	_ =	swait.ge @!p0 [sflag:s8], $0x0  }
0x24: {  	s3 =	sadd.s32 $0x88, s3;
	s6 =	simm.s32 @!p1 $0x1082;
	[sflag:s4] =	ssyncset.s32 $0xFFFFF086  }
0x25: {  	[simem:s6], [sflag:s4] =	dma.local [hbm:s3], $0xF7A  }
0x26: {  	[smem:$0x3F9F] =	sst s1;
	(tag) =	ssettag s2;
	_ =	strace s9  }
0x27: {  	s1 =	sld [smem:$0x3FAF]  }
0x28: {  	s2 =	sld [smem:$0x3FB0]  }
0x29: {  	s4 =	sld [smem:$0x3FB2]  }
0x2a: {  	p0 =	seq.s32 s5, $0x0;
	s5 =	sld [smem:$0x3FB3]  }
0x2b: {  	s6 =	sld [smem:$0x3FB4]  }
0x2c: {  	s7 =	sld [smem:$0x3FB5]  }
0x2d: {  	s3 =	simm.s32 $0x108;
	s8 =	sld [smem:$0x3FB6]  }
0x2e: {  	s3 =	simm.s32 @!p0 $0x1082;
	s9 =	sld [smem:$0x3FB7]  }
0x2f: {  	lr =	sadd.s32 s0, s3;
	s0 =	sld [smem:$0x3FAE]  }
0x30: {  	s3 =	sld [smem:$0x3FB1]  }
0x31: {  	[smem:$0x3FBA] =	sst s10  }
0x32: {  	s10 =	sld [smem:$0x3FB8];
	_ =	sdelay $0x3  }
0x33: {  	p0 =	seq.s32 s10, $0x1;
	s10 =	sld [smem:$0x3FBA];
	_ =	sdelay $0x3  }
0x34: {  	[smem:$0x3FBA] =	sst s10  }
0x35: {  	s10 =	sld [smem:$0x3FB9];
	_ =	sdelay $0x3  }
0x36: {  	p1 =	seq.s32 s10, $0x1;
	s10 =	sld [smem:$0x3FBA];
	_ =	sdelay $0x3  }
0x37: {  	[smem:$0x3FBA] =	sst s10  }
0x38: {  	s10 =	sld [smem:$0x3FBB]  }
0x39: {  	_ = 	snop;
	(pc) =	sbr.ind lr, $3  }
0x3a: {  	_ = 	snop  }
0x3b: {  	_ = 	snop  }
0x3c: {  	p2 =	seq.s32 s10, $0x1;
	s10 =	sld [smem:$0x3FBA]  }
0x3d: {  	_ =	shalt  }
0x3e: {  	_ =	shalt  }
0x3f: {  	_ =	shalt  }
0x40: {  	_ =	shalt  }
0x41: {  	_ =	shalt  }
0x42: {  	_ =	shalt  }
0x43: {  	_ =	shalt  }
0x44: {  	_ =	shalt  }
0x45: {  	_ =	shalt  }
0x46: {  	_ =	shalt  }
0x47: {  	_ =	shalt  }
0x48: {  	_ =	shalt  }
0x49: {  	_ =	shalt  }
0x4a: {  	_ =	shalt  }
0x4b: {  	_ =	shalt  }
0x4c: {  	_ =	shalt  }
0x4d: {  	_ =	shalt  }
0x4e: {  	_ =	shalt  }
0x4f: {  	_ =	shalt  }
0x50: {  	_ =	shalt  }
0x51: {  	_ =	shalt  }
0x52: {  	_ =	shalt  }
0x53: {  	_ =	shalt  }
0x54: {  	_ =	shalt  }
0x55: {  	_ =	shalt  }
0x56: {  	_ =	shalt  }
0x57: {  	_ =	shalt  }
0x58: {  	_ =	shalt  }
0x59: {  	_ =	shalt  }
0x5a: {  	_ =	shalt  }
0x5b: {  	_ =	shalt  }
0x5c: {  	_ =	shalt  }
0x5d: {  	_ =	shalt  }
0x5e: {  	_ =	shalt  }
0x5f: {  	_ =	shalt  }
0x60: {  	_ =	shalt  }
0x61: {  	_ =	shalt  }
0x62: {  	_ =	shalt  }
0x63: {  	_ =	shalt  }
0x64: {  	_ =	shalt  }
0x65: {  	_ =	shalt  }
0x66: {  	_ =	shalt  }
0x67: {  	_ =	shalt  }
0x68: {  	_ =	shalt  }
0x69: {  	_ =	shalt  }
0x6a: {  	_ =	shalt  }
0x6b: {  	_ =	shalt  }
0x6c: {  	_ =	shalt  }
0x6d: {  	_ =	shalt  }
0x6e: {  	_ =	shalt  }
0x6f: {  	_ =	shalt  }
0x70: {  	_ =	shalt  }
0x71: {  	_ =	shalt  }
0x72: {  	_ =	shalt  }
0x73: {  	_ =	shalt  }
0x74: {  	_ =	shalt  }
0x75: {  	_ =	shalt  }
0x76: {  	_ =	shalt  }
0x77: {  	_ =	shalt  }
0x78: {  	_ =	shalt  }
0x79: {  	_ =	shalt  }
0x7a: {  	_ =	shalt  }
0x7b: {  	_ =	shalt  }
0x7c: {  	_ =	shalt  }
0x7d: {  	_ =	shalt  }
0x7e: {  	_ =	shalt  }
0x7f: {  	_ =	shalt  }
0x80: {  	_ =	shalt  }
0x81: {  	_ =	shalt  }
0x82: {  	_ =	shalt  }
0x83: {  	_ =	shalt  }
0x84: {  	_ =	shalt  }
0x85: {  	_ =	shalt  }
0x86: {  	_ =	shalt  }
0x87: {  	_ =	shalt  }
.Lfunc_end0:
.L_simem_size_0:
called_computation_lowered:
.L_overlay_start_0:
0x88: {  	s2 =	sld [smem:$0x3FD9]  }
0x89: {  	s3 =	sld [smem:$0x3FFE];
	_ =	sdelay $0x1  }
0x8a: {  	s1 =	srdreg.scid  }
0x8b: {  	s0 =	sand.u32 $0x1, s1  }
0x8c: {  	s17 =	sshll.u32 s0, $0xA;
	s2 =	sadd.s32 s3, s2  }
0x8d: {  	s2 =	sadd.s32 s2, s17  }
0x8e: {  	[smem:$0x3FC6] =	sst s2  }
0x8f: {  	_ = 	snop  }
0x90: {  	s2 =	sld [smem:$0x3FC8]  }
0x91: {  	s18 =	sld [smem:$0x3FD0];
	(tm) =	ssettm $0x1  }
0x92: {  	s4 =	sld [smem:$0x3FFB];
	_ =	sdelay $0x3  }
0x93: {  	_ =	strace s4  }
0x94: {  	s4 =	sld [smem:$0x3FFC];
	_ =	sdelay $0x3  }
0x95: {  	_ =	strace s4  }
0x96: {  	s4 =	sld [smem:$0x3FFD];
	_ =	sdelay $0x3  }
0x97: {  	_ =	strace s4  }
0x98: {  	_ =	strace $0x8FFFFFFF  }
0x99: {  	s19 =	sld [smem:$0x3FDB];
	_ =	sdelay $0x1  }
0x9a: {  	s5 =	simm.s32 $_scs_section_size  }
0x9b: {  	s6 =	simm.s32 $_size__tile_overlayer_lowered;
	s7 =	simm.s32 $_tile_overlayer_lowered  }
0x9c: {  	s22 =	simm.s32 $0x1BFF;
	s21 =	sshll.u32 s7, $0x1;
	s4 =	sadd.s32 s5, s19  }
0x9d: {  	s8 =	simm.s32 $0x0;
	s20 =	sshll.u32 s6, $0x1;
	s6 =	sadd.s32 s21, s4  }
0x9e: {  	[timem:s8], [sflag:s22] =	dma.local [hbm:s6], s20  }
0x9f: {  	_ =	swait.ge [sflag:s22], s20  }
0xa0: {  	s5 =	ssub.s32 $0x0, s20;
	[sflag:s22] =	ssyncset.done $0x0  }
0xa1: {  	[sflag:s22] =	ssyncadd.s32 s5;
	_ =	sdelay $0x1  }
0xa2: {  	s23 =	simm.s32 $0x1B8B  }
0xa3: {  	_ =	swait.ge [sflag:s23], $0x1  }
0xa4: {  	[sflag:s23] =	ssyncset.done $0x0  }
0xa5: {  	s25 =	simm.s32 $0x1B8E;
	s24 =	sld [smem:$0x3FFE];
	[sflag:s23] =	ssyncadd.s32 $0xFFFFFFFF  }
0xa6: {  	s26 =	simm.s32 $execute0_lowered;
	[smem:$0x3FD2] =	sst s25  }
0xa7: {  	s6 =	sshll.u32 s26, $0x1;
	_ =	strace $0x80000046;
	[dreg:$0x1] =	wrdreg $0xFFFFFFFF  }
0xa8: {  	s28 =	simm.s32 $_size_execute0_lowered;
	s4 =	sadd.s32 s4, s6;
	[dreg:$0x0] =	wrdreg $0x0  }
0xa9: {  	s6 =	sshll.u32 s28, $0x1;
	[dreg:$0x2] =	wrdreg s4  }
0xaa: {  	[dreg:$0x3] =	wrdreg s6  }
0xab: {  	[dreg:$0x4] =	wrdreg $0xC0  }
0xac: {  	_ =	task [dreg:s8], $0x5FFFF  }
0xad: {  	[dreg:$0x1] =	wrdreg $0xFFFFFFFF  }
0xae: {  	[dreg:$0x0] =	wrdreg $0x60  }
0xaf: {  	[dreg:$0x2] =	wrdreg s24  }
0xb0: {  	[dreg:$0x3] =	wrdreg s2  }
0xb1: {  	[dreg:$0x4] =	wrdreg s18  }
0xb2: {  	[dreg:$0x5] =	wrdreg $0xA0000  }
0xb3: {  	[dreg:$0x6] =	wrdreg $0x9  }
0xb4: {  	_ =	task.clear_ibuf [dreg:s8], $0x7FFFF;
	_ =	strace $0x90000046  }
0xb5: {  	s29 =	simm.s32 $0x9;
	_ =	strace $0x80000048  }
0xb6: {  	_ =	swait.ge [sflag:s29], $0x1  }
0xb7: {  	[sflag:s29] =	ssyncadd.s32 $0xFFFFFFFF  }
0xb8: {  	_ =	strace $0x90000048  }
0xb9: {  	_ =	sfence  }
0xba: {  	s30 =	sld [smem:$0x0];
	_ =	sdelay $0x2  }
0xbb: {  	s31 =	sshll.u32 s1, $0xD;
	s1 =	sshrl.u32 s1, $0x2  }
0xbc: {  	s3 =	sand.u32 $0x4000, s31;
	s1 =	sadd.s32 s1, s30  }
0xbd: {  	s0 =	sor.u32 s3, s0;
	s1 =	sshll.u32 s1, $0x11  }
0xbe: {  	s0 =	sor.u32 s1, s0  }
0xbf: {  	s0 =	sadd.s32 $0x8F2B, s0  }
0xc0: {  	[sflag:s0] =	ssyncadd.remote.s32 $0x1  }
0xc1: {  	_ =	sfence.sel $0xFFFF  }
0xc2: {  	[dreg:$0x0] =	wrdreg $0xFFFFFFFF;
	(pc) =	sbr.abs _section_cstart, $3  }
0xc3: {  	[dreg:$0x1] =	wrdreg $0xFFFFFFFF  }
0xc4: {  	_ =	task.clear_ibuf [dreg:s8], $0x2FFFF;
	_ =	strace $0x9FFFFFFF  }
0xc5: {  	(tm) =	ssettm $0x7FFFFFFF  }
tec
execute0_lowered:
.L_overlay_start_1:
0x0: {  	(tag) =	ssettag $0x1  }
0x1: {  	s0 =	rddreg [dreg:$0x0]  }
0x2: {  	s1 =	srdreg.scid;
	s5 =	rddreg [dreg:$0x2]  }
0x3: {  	s4 =	stileid.u32;
	s2 =	rddreg [dreg:$0x3]  }
0x4: {  	s29 =	simm.s32 $0x17368;
	s31 =	simm.s32 $0x19B68;
	s28 =	simm.s32 $0x5  }
0x5: {  	s30 =	simm.s32 $0x6;
	s10 =	simm.s32 $0xE;
	s11 =	simm.s32 $0xF  }
0x6: {  	s12 =	simm.s32 $0x10;
	s1 =	sand.u32 $0x1, s1;
	s3 =	sshll.u32 s4, $0x1  }
0x7: {  	s14 =	simm.s32 $0x0;
	s22 =	smul.u32 $0xC8000, s4;
	s6 =	sor.u32 s1, s3  }
0x8: {  	s3 =	simm.s32 $0x0;
	s8 =	ssub.s32 $0x2, s1;
	s7 =	smul.u32 $0x320000, s6  }
0x9: {  	[smem:$0x7FF] =	sst s3;
	s6 =	smul.u32 $0x1400, s6;
	s9 =	sshrl.u32 s8, $0x1  }
0xa: {  	p0 =	sne.s32 s4, $0x0;
	_ =	strace $0x80000047;
	s17 =	ssub.s32 s8, s9  }
0xb: {  	s7 =	sshrl.u32 s7, $0x3;
	s0 =	sadd.s32 s6, s0;
	s26 =	smax.u32 s17, $0x1  }
0xc: {  	s7 =	sadd.s32 s5, s7;
	s0 =	sadd.s32 $0x400, s0;
	[dreg:$0xe] =	wrdreg s26  }
0xd: {  	s4 =	simm.s32 $0x8;
	[dreg:$0x5] =	wrdreg s0;
	s18 =	sadd.s32 $0x61800, s7  }
0xe: {  	s1 =	smul.u32 $0x64000, s1;
	s19 =	sadd.s32 $0x61D00, s7;
	[dreg:$0x6] =	wrdreg s18  }
0xf: {  	s8 =	simm.s32 $0xC;
	s20 =	sadd.s32 $0x62200, s7;
	[dreg:$0x7] =	wrdreg s19  }
0x10: {  	s9 =	simm.s32 $0xD;
	s21 =	sadd.s32 $0x62700, s7;
	[dreg:$0x8] =	wrdreg s20  }
0x11: {  	s17 =	simm.s32 $0x50;
	s23 =	sadd.s32 $0x62C00, s7;
	[dreg:$0x9] =	wrdreg s21  }
0x12: {  	s6 =	simm.s32 $0xA;
	s24 =	sadd.s32 $0x63100, s7;
	[dreg:$0xa] =	wrdreg s23  }
0x13: {  	s26 =	simm.s32 $0x14B68;
	s25 =	sadd.s32 $0x63600, s7;
	[dreg:$0xb] =	wrdreg s24  }
0x14: {  	s7 =	sadd.s32 $0x63B00, s7;
	s0 =	sadd.s32 s22, s5;
	[dreg:$0xc] =	wrdreg s25  }
0x15: {  	s22 =	simm.s32 $0xFB68;
	s5 =	simm.s32 $0x9;
	[dreg:$0xd] =	wrdreg s7  }
0x16: {  	s0 =	sadd.s32 s1, s0;
	s18 =	simm.s32 $0xAB68;
	s20 =	simm.s32 $0xD368  }
0x17: {  	s24 =	simm.s32 $0x12368;
	s19 =	simm.s32 $0x1;
	s21 =	simm.s32 $0x2  }
0x18: {  	s23 =	simm.s32 $0x3;
	s25 =	simm.s32 $0x4;
	s0 =	sadd.s32 $0x2300, s0  }
0x19: {  	s1 =	simm.s32 $0x7;
	[dreg:$0xf] =	wrdreg s0;
	s0 =	sshrl.u32 @!p0 s2, $0x3  }
0x1a: {  	s7 =	simm.s32 $0xB;
	[dreg:$0x10] =	wrdreg s0;
	s0 =	simm.s32 $0x1C368  }
.LBB2_1:
0x1b: {  	[dreg:$0x11] =	wrdreg s14  }
0x1c: {  	s14 =	rddreg [dreg:$0x1]  }
0x1d: {  	s13 =	simm.s32 @!p0 $0x1C11;
	s15 =	rddreg [dreg:$0x10]  }
0x1e: {  	[spmem:s15], [sflag:s13] =	dma.local @!p0 [hbm:s14], $0x16D0  }
0x1f: {  	s13 =	simm.s32 @!p0 $0x11  }
0x20: {  	_ =	swait.ge @!p0 [sflag:s13], $0x16D0  }
0x21: {  	[sflag:s13] =	ssyncset.done @!p0 $0x0  }
0x22: {  	s16 =	simm.s32 $0x11;
	s15 =	rddreg [dreg:$0x5];
	[sflag:s13] =	ssyncadd.s32 @!p0 $0xFFFFE930  }
0x23: {  	[tilespmem:s3], [sflag:$0x11] =	stream.linear.gather [hbm4b:s15+s3], $0xA000, $0x38;
	[tilespmem:$0x1EB68] =	vst v63  }
0x24: {  	_ =	swait.ge [sflag:s16], $0xA000  }
0x25: {  	[sflag:s16] =	ssyncset.done $0x0  }
0x26: {  	[sflag:s16] =	ssyncadd.s32 $0xFFFF6000  }
0x27: {  	[bflag:$0x0] =	sbarrier.arrive $0xFFFF  }
0x28: {  	[tilespmem:s18], [sflag:$0x1] =	stream.indirect.gather [spmem:s2], $0x80, s3, s17, $0xb8;
	[tilespmem:$0x1EB68] =	vst v63  }
0x29: {  	s14 =	simm.s32 $0x80  }
0x2a: {  	[tilespmem:s20], [sflag:$0x2] =	stream.indirect.gather [spmem:s2], $0x80, s14, s17, $0xb8;
	[tilespmem:$0x1EB68] =	vst v63  }
0x2b: {  	s15 =	simm.s32 $0x100  }
0x2c: {  	[tilespmem:s22], [sflag:$0x3] =	stream.indirect.gather [spmem:s2], $0x80, s15, s17, $0xb8;
	[tilespmem:$0x1EB68] =	vst v63  }
0x2d: {  	s16 =	simm.s32 $0x180  }
0x2e: {  	[tilespmem:s24], [sflag:$0x4] =	stream.indirect.gather [spmem:s2], $0x80, s16, s17, $0xb8;
	[tilespmem:$0x1EB68] =	vst v63  }
0x2f: {  	s14 =	simm.s32 $0x200  }
0x30: {  	[tilespmem:s26], [sflag:$0x5] =	stream.indirect.gather [spmem:s2], $0x80, s14, s17, $0xb8;
	[tilespmem:$0x1EB68] =	vst v63  }
0x31: {  	s15 =	simm.s32 $0x280  }
0x32: {  	[tilespmem:s29], [sflag:$0x6] =	stream.indirect.gather [spmem:s2], $0x80, s15, s17, $0xb8;
	[tilespmem:$0x1EB68] =	vst v63  }
0x33: {  	s16 =	simm.s32 $0x300  }
0x34: {  	[tilespmem:s31], [sflag:$0x7] =	stream.indirect.gather [spmem:s2], $0x80, s16, s17, $0xb8;
	[tilespmem:$0x1EB68] =	vst v63  }
0x35: {  	s14 =	simm.s32 $0x380  }
0x36: {  	[tilespmem:s0], [sflag:$0x8] =	stream.indirect.gather [spmem:s2], $0x80, s14, s17, $0xb8;
	[tilespmem:$0x1EB68] =	vst v63  }
0x37: {  	_ =	swait.ge [sflag:s19], $0x2800  }
0x38: {  	[sflag:s19] =	ssyncset.done $0x0;
	s14 =	rddreg [dreg:$0xf]  }
0x39: {  	[sflag:s19] =	ssyncadd.s32 $0xFFFFD800;
	s15 =	sadd.s32 $0xFFFFDD00, s14  }
0x3a: {  	[hbm4b:s15+s3] =	stream.linear.scatter [tilespmem:s18], [sflag:$0x9], $0x2800, $0x38;
	[tilespmem:$0x1EB68] =	vst v63  }
0x3b: {  	_ =	swait.ge [sflag:s21], $0x2800  }
0x3c: {  	[sflag:s21] =	ssyncset.done $0x0  }
0x3d: {  	s16 =	sadd.s32 $0xFFFFE200, s14;
	[sflag:s21] =	ssyncadd.s32 $0xFFFFD800  }
0x3e: {  	[hbm4b:s16+s3] =	stream.linear.scatter [tilespmem:s20], [sflag:$0xA], $0x2800, $0x38;
	[tilespmem:$0x1EB68] =	vst v63  }
0x3f: {  	_ =	swait.ge [sflag:s23], $0x2800  }
0x40: {  	[sflag:s23] =	ssyncset.done $0x0  }
0x41: {  	s15 =	sadd.s32 $0xFFFFE700, s14;
	[sflag:s23] =	ssyncadd.s32 $0xFFFFD800  }
0x42: {  	[hbm4b:s15+s3] =	stream.linear.scatter [tilespmem:s22], [sflag:$0xB], $0x2800, $0x38;
	[tilespmem:$0x1EB68] =	vst v63  }
0x43: {  	_ =	swait.ge [sflag:s25], $0x2800  }
0x44: {  	[sflag:s25] =	ssyncset.done $0x0  }
0x45: {  	s16 =	sadd.s32 $0xFFFFEC00, s14;
	[sflag:s25] =	ssyncadd.s32 $0xFFFFD800  }
0x46: {  	[hbm4b:s16+s3] =	stream.linear.scatter [tilespmem:s24], [sflag:$0xC], $0x2800, $0x38;
	[tilespmem:$0x1EB68] =	vst v63  }
0x47: {  	_ =	swait.ge [sflag:s28], $0x2800  }
0x48: {  	[sflag:s28] =	ssyncset.done $0x0  }
0x49: {  	s15 =	sadd.s32 $0xFFFFF100, s14;
	[sflag:s28] =	ssyncadd.s32 $0xFFFFD800  }
0x4a: {  	[hbm4b:s15+s3] =	stream.linear.scatter [tilespmem:s26], [sflag:$0xD], $0x2800, $0x38;
	[tilespmem:$0x1EB68] =	vst v63  }
0x4b: {  	_ =	swait.ge [sflag:s30], $0x2800  }
0x4c: {  	[sflag:s30] =	ssyncset.done $0x0  }
0x4d: {  	s16 =	sadd.s32 $0xFFFFF600, s14;
	[sflag:s30] =	ssyncadd.s32 $0xFFFFD800  }
0x4e: {  	[hbm4b:s16+s3] =	stream.linear.scatter [tilespmem:s29], [sflag:$0xE], $0x2800, $0x38;
	[tilespmem:$0x1EB68] =	vst v63  }
0x4f: {  	_ =	swait.ge [sflag:s1], $0x2800  }
0x50: {  	[sflag:s1] =	ssyncset.done $0x0  }
0x51: {  	s15 =	sadd.s32 $0xFFFFFB00, s14;
	[sflag:s1] =	ssyncadd.s32 $0xFFFFD800  }
0x52: {  	[hbm4b:s15+s3] =	stream.linear.scatter [tilespmem:s31], [sflag:$0xF], $0x2800, $0x38;
	[tilespmem:$0x1EB68] =	vst v63  }
0x53: {  	_ =	swait.ge [sflag:s4], $0x2800  }
0x54: {  	[sflag:s4] =	ssyncset.done $0x0  }
0x55: {  	[sflag:s4] =	ssyncadd.s32 $0xFFFFD800  }
0x56: {  	[hbm4b:s14+s3] =	stream.linear.scatter [tilespmem:s0], [sflag:$0x10], $0x2800, $0x38;
	[tilespmem:$0x1EB68] =	vst v63  }
0x57: {  	_ =	swait.ge [sflag:s5], $0x2800  }
0x58: {  	[sflag:s5] =	ssyncset.done $0x0  }
0x59: {  	s16 =	simm.s32 $0x400;
	[sflag:s5] =	ssyncadd.s32 $0xFFFFD800  }
0x5a: {  	[tilespmem:s18], [sflag:$0x1] =	stream.indirect.gather [spmem:s2], $0x80, s16, s17, $0xb8;
	[tilespmem:$0x1EB68] =	vst v63  }
0x5b: {  	_ =	swait.ge [sflag:s6], $0x2800  }
0x5c: {  	[sflag:s6] =	ssyncset.done $0x0  }
0x5d: {  	s15 =	simm.s32 $0x480;
	[sflag:s6] =	ssyncadd.s32 $0xFFFFD800  }
0x5e: {  	[tilespmem:s20], [sflag:$0x2] =	stream.indirect.gather [spmem:s2], $0x80, s15, s17, $0xb8;
	[tilespmem:$0x1EB68] =	vst v63  }
0x5f: {  	_ =	swait.ge [sflag:s7], $0x2800  }
0x60: {  	[sflag:s7] =	ssyncset.done $0x0  }
0x61: {  	s16 =	simm.s32 $0x500;
	[sflag:s7] =	ssyncadd.s32 $0xFFFFD800  }
0x62: {  	[tilespmem:s22], [sflag:$0x3] =	stream.indirect.gather [spmem:s2], $0x80, s16, s17, $0xb8;
	[tilespmem:$0x1EB68] =	vst v63  }
0x63: {  	_ =	swait.ge [sflag:s8], $0x2800  }
0x64: {  	[sflag:s8] =	ssyncset.done $0x0  }
0x65: {  	s15 =	simm.s32 $0x580;
	[sflag:s8] =	ssyncadd.s32 $0xFFFFD800  }
0x66: {  	[tilespmem:s24], [sflag:$0x4] =	stream.indirect.gather [spmem:s2], $0x80, s15, s17, $0xb8;
	[tilespmem:$0x1EB68] =	vst v63  }
0x67: {  	_ =	swait.ge [sflag:s9], $0x2800  }
0x68: {  	[sflag:s9] =	ssyncset.done $0x0  }
0x69: {  	s16 =	simm.s32 $0x600;
	[sflag:s9] =	ssyncadd.s32 $0xFFFFD800  }
0x6a: {  	[tilespmem:s26], [sflag:$0x5] =	stream.indirect.gather [spmem:s2], $0x80, s16, s17, $0xb8;
	[tilespmem:$0x1EB68] =	vst v63  }
0x6b: {  	_ =	swait.ge [sflag:s10], $0x2800  }
0x6c: {  	[sflag:s10] =	ssyncset.done $0x0  }
0x6d: {  	s15 =	simm.s32 $0x680;
	[sflag:s10] =	ssyncadd.s32 $0xFFFFD800  }
0x6e: {  	[tilespmem:s29], [sflag:$0x6] =	stream.indirect.gather [spmem:s2], $0x80, s15, s17, $0xb8;
	[tilespmem:$0x1EB68] =	vst v63  }
0x6f: {  	_ =	swait.ge [sflag:s11], $0x2800  }
0x70: {  	[sflag:s11] =	ssyncset.done $0x0  }
0x71: {  	s16 =	simm.s32 $0x700;
	[sflag:s11] =	ssyncadd.s32 $0xFFFFD800  }
0x72: {  	[tilespmem:s31], [sflag:$0x7] =	stream.indirect.gather [spmem:s2], $0x80, s16, s17, $0xb8;
	[tilespmem:$0x1EB68] =	vst v63  }
0x73: {  	_ =	swait.ge [sflag:s12], $0x2800  }
0x74: {  	s13 =	simm.s32 $0x780;
	[sflag:s12] =	ssyncset.done $0x0  }
0x75: {  	s15 =	simm.s32 $0x1000;
	s16 =	sadd.s32 $0x2800, s14;
	[sflag:s12] =	ssyncadd.s32 $0xFFFFD800  }
.LBB2_2:
0x76: {  	[tilespmem:s0], [sflag:$0x8] =	stream.indirect.gather [spmem:s2], $0x80, s13, s17, $0xb8;
	[tilespmem:$0x1EB68] =	vst v63  }
0x77: {  	s13 =	smov.u32 s15  }
0x78: {  	p1 =	sne.s32 s15, $0x26000;
	s15 =	sadd.s32 $0x1000, s15;
	_ =	swait.ge [sflag:s19], $0x2800  }
0x79: {  	[sflag:s19] =	ssyncset.done $0x0  }
0x7a: {  	s14 =	sadd.s32 $0xFFFFDD00, s16;
	[sflag:s19] =	ssyncadd.s32 $0xFFFFD800  }
0x7b: {  	[hbm4b:s14+s3] =	stream.linear.scatter [tilespmem:s18], [sflag:$0x9], $0x2800, $0x38;
	[tilespmem:$0x1EB68] =	vst v63  }
0x7c: {  	_ =	swait.ge [sflag:s21], $0x2800  }
0x7d: {  	[sflag:s21] =	ssyncset.done $0x0  }
0x7e: {  	s14 =	sadd.s32 $0xFFFFE200, s16;
	[sflag:s21] =	ssyncadd.s32 $0xFFFFD800  }
0x7f: {  	[hbm4b:s14+s3] =	stream.linear.scatter [tilespmem:s20], [sflag:$0xA], $0x2800, $0x38;
	[tilespmem:$0x1EB68] =	vst v63  }
0x80: {  	_ =	swait.ge [sflag:s23], $0x2800  }
0x81: {  	[sflag:s23] =	ssyncset.done $0x0  }
0x82: {  	s14 =	sadd.s32 $0xFFFFE700, s16;
	[sflag:s23] =	ssyncadd.s32 $0xFFFFD800  }
0x83: {  	[hbm4b:s14+s3] =	stream.linear.scatter [tilespmem:s22], [sflag:$0xB], $0x2800, $0x38;
	[tilespmem:$0x1EB68] =	vst v63  }
0x84: {  	_ =	swait.ge [sflag:s25], $0x2800  }
0x85: {  	[sflag:s25] =	ssyncset.done $0x0  }
0x86: {  	s14 =	sadd.s32 $0xFFFFEC00, s16;
	[sflag:s25] =	ssyncadd.s32 $0xFFFFD800  }
0x87: {  	[hbm4b:s14+s3] =	stream.linear.scatter [tilespmem:s24], [sflag:$0xC], $0x2800, $0x38;
	[tilespmem:$0x1EB68] =	vst v63  }
0x88: {  	_ =	swait.ge [sflag:s28], $0x2800  }
0x89: {  	[sflag:s28] =	ssyncset.done $0x0  }
0x8a: {  	s14 =	sadd.s32 $0xFFFFF100, s16;
	[sflag:s28] =	ssyncadd.s32 $0xFFFFD800  }
0x8b: {  	[hbm4b:s14+s3] =	stream.linear.scatter [tilespmem:s26], [sflag:$0xD], $0x2800, $0x38;
	[tilespmem:$0x1EB68] =	vst v63  }
0x8c: {  	_ =	swait.ge [sflag:s30], $0x2800  }
0x8d: {  	[sflag:s30] =	ssyncset.done $0x0  }
0x8e: {  	s14 =	sadd.s32 $0xFFFFF600, s16;
	[sflag:s30] =	ssyncadd.s32 $0xFFFFD800  }
0x8f: {  	[hbm4b:s14+s3] =	stream.linear.scatter [tilespmem:s29], [sflag:$0xE], $0x2800, $0x38;
	[tilespmem:$0x1EB68] =	vst v63  }
0x90: {  	_ =	swait.ge [sflag:s1], $0x2800  }
0x91: {  	[sflag:s1] =	ssyncset.done $0x0  }
0x92: {  	s14 =	sadd.s32 $0xFFFFFB00, s16;
	[sflag:s1] =	ssyncadd.s32 $0xFFFFD800  }
0x93: {  	[hbm4b:s14+s3] =	stream.linear.scatter [tilespmem:s31], [sflag:$0xF], $0x2800, $0x38;
	[tilespmem:$0x1EB68] =	vst v63  }
0x94: {  	_ =	swait.ge [sflag:s4], $0x2800  }
0x95: {  	[sflag:s4] =	ssyncset.done $0x0  }
0x96: {  	[sflag:s4] =	ssyncadd.s32 $0xFFFFD800  }
0x97: {  	[hbm4b:s16+s3] =	stream.linear.scatter [tilespmem:s0], [sflag:$0x10], $0x2800, $0x38;
	[tilespmem:$0x1EB68] =	vst v63  }
0x98: {  	_ =	swait.ge [sflag:s5], $0x2800  }
0x99: {  	s13 =	sshra.s32 s13, $0x2;
	[sflag:s5] =	ssyncset.done $0x0  }
0x9a: {  	s14 =	sadd.s32 $0x400, s13;
	[sflag:s5] =	ssyncadd.s32 $0xFFFFD800  }
0x9b: {  	[tilespmem:s18], [sflag:$0x1] =	stream.indirect.gather [spmem:s2], $0x80, s14, s17, $0xb8;
	[tilespmem:$0x1EB68] =	vst v63  }
0x9c: {  	_ =	swait.ge [sflag:s6], $0x2800  }
0x9d: {  	[sflag:s6] =	ssyncset.done $0x0  }
0x9e: {  	s14 =	sadd.s32 $0x480, s13;
	[sflag:s6] =	ssyncadd.s32 $0xFFFFD800  }
0x9f: {  	[tilespmem:s20], [sflag:$0x2] =	stream.indirect.gather [spmem:s2], $0x80, s14, s17, $0xb8;
	[tilespmem:$0x1EB68] =	vst v63  }
0xa0: {  	_ =	swait.ge [sflag:s7], $0x2800  }
0xa1: {  	[sflag:s7] =	ssyncset.done $0x0  }
0xa2: {  	s14 =	sadd.s32 $0x500, s13;
	[sflag:s7] =	ssyncadd.s32 $0xFFFFD800  }
0xa3: {  	[tilespmem:s22], [sflag:$0x3] =	stream.indirect.gather [spmem:s2], $0x80, s14, s17, $0xb8;
	[tilespmem:$0x1EB68] =	vst v63  }
0xa4: {  	_ =	swait.ge [sflag:s8], $0x2800  }
0xa5: {  	[sflag:s8] =	ssyncset.done $0x0  }
0xa6: {  	s14 =	sadd.s32 $0x580, s13;
	[sflag:s8] =	ssyncadd.s32 $0xFFFFD800  }
0xa7: {  	[tilespmem:s24], [sflag:$0x4] =	stream.indirect.gather [spmem:s2], $0x80, s14, s17, $0xb8;
	[tilespmem:$0x1EB68] =	vst v63  }
0xa8: {  	_ =	swait.ge [sflag:s9], $0x2800  }
0xa9: {  	[sflag:s9] =	ssyncset.done $0x0  }
0xaa: {  	s14 =	sadd.s32 $0x600, s13;
	[sflag:s9] =	ssyncadd.s32 $0xFFFFD800  }
0xab: {  	[tilespmem:s26], [sflag:$0x5] =	stream.indirect.gather [spmem:s2], $0x80, s14, s17, $0xb8;
	[tilespmem:$0x1EB68] =	vst v63  }
0xac: {  	_ =	swait.ge [sflag:s10], $0x2800  }
0xad: {  	[sflag:s10] =	ssyncset.done $0x0  }
0xae: {  	s14 =	sadd.s32 $0x680, s13;
	[sflag:s10] =	ssyncadd.s32 $0xFFFFD800  }
0xaf: {  	[tilespmem:s29], [sflag:$0x6] =	stream.indirect.gather [spmem:s2], $0x80, s14, s17, $0xb8;
	[tilespmem:$0x1EB68] =	vst v63  }
0xb0: {  	_ =	swait.ge [sflag:s11], $0x2800  }
0xb1: {  	[sflag:s11] =	ssyncset.done $0x0  }
.Ltmp0:
0xb2: {  	s14 =	sadd.s32 $0x700, s13;
	[sflag:s11] =	ssyncadd.s32 $0xFFFFD800;
	(pc) =	sbr.rel @p1 .LBB2_2-.Ltmp0, $4  }
0xb3: {  	[tilespmem:s31], [sflag:$0x7] =	stream.indirect.gather [spmem:s2], $0x80, s14, s17, $0xb8;
	[tilespmem:$0x1EB68] =	vst v63  }
0xb4: {  	_ =	swait.ge [sflag:s12], $0x2800  }
0xb5: {  	[sflag:s12] =	ssyncset.done $0x0  }
0xb6: {  	s16 =	sadd.s32 $0x2800, s16;
	s13 =	sadd.s32 $0x780, s13;
	[sflag:s12] =	ssyncadd.s32 $0xFFFFD800  }
0xb7: {  	[tilespmem:s0], [sflag:$0x8] =	stream.indirect.gather [spmem:s2], $0x80, s13, s17, $0xb8;
	[tilespmem:$0x1EB68] =	vst v63  }
0xb8: {  	_ =	swait.ge [sflag:s19], $0x2800  }
0xb9: {  	[sflag:s19] =	ssyncset.done $0x0  }
0xba: {  	s14 =	rddreg [dreg:$0x6];
	[sflag:s19] =	ssyncadd.s32 $0xFFFFD800  }
0xbb: {  	[hbm4b:s14+s3] =	stream.linear.scatter [tilespmem:s18], [sflag:$0x9], $0x2800, $0x38;
	[tilespmem:$0x1EB68] =	vst v63  }
0xbc: {  	_ =	swait.ge [sflag:s21], $0x2800  }
0xbd: {  	[sflag:s21] =	ssyncset.done $0x0  }
0xbe: {  	s15 =	rddreg [dreg:$0x7];
	[sflag:s21] =	ssyncadd.s32 $0xFFFFD800  }
0xbf: {  	[hbm4b:s15+s3] =	stream.linear.scatter [tilespmem:s20], [sflag:$0xA], $0x2800, $0x38;
	[tilespmem:$0x1EB68] =	vst v63  }
0xc0: {  	_ =	swait.ge [sflag:s23], $0x2800  }
0xc1: {  	[sflag:s23] =	ssyncset.done $0x0  }
0xc2: {  	s16 =	rddreg [dreg:$0x8];
	[sflag:s23] =	ssyncadd.s32 $0xFFFFD800  }
0xc3: {  	[hbm4b:s16+s3] =	stream.linear.scatter [tilespmem:s22], [sflag:$0xB], $0x2800, $0x38;
	[tilespmem:$0x1EB68] =	vst v63  }
0xc4: {  	_ =	swait.ge [sflag:s25], $0x2800  }
0xc5: {  	[sflag:s25] =	ssyncset.done $0x0  }
0xc6: {  	s14 =	rddreg [dreg:$0x9];
	[sflag:s25] =	ssyncadd.s32 $0xFFFFD800  }
0xc7: {  	[hbm4b:s14+s3] =	stream.linear.scatter [tilespmem:s24], [sflag:$0xC], $0x2800, $0x38;
	[tilespmem:$0x1EB68] =	vst v63  }
0xc8: {  	_ =	swait.ge [sflag:s28], $0x2800  }
0xc9: {  	[sflag:s28] =	ssyncset.done $0x0  }
0xca: {  	s15 =	rddreg [dreg:$0xa];
	[sflag:s28] =	ssyncadd.s32 $0xFFFFD800  }
0xcb: {  	[hbm4b:s15+s3] =	stream.linear.scatter [tilespmem:s26], [sflag:$0xD], $0x2800, $0x38;
	[tilespmem:$0x1EB68] =	vst v63  }
0xcc: {  	_ =	swait.ge [sflag:s30], $0x2800  }
0xcd: {  	[sflag:s30] =	ssyncset.done $0x0  }
0xce: {  	s16 =	rddreg [dreg:$0xb];
	[sflag:s30] =	ssyncadd.s32 $0xFFFFD800  }
0xcf: {  	[hbm4b:s16+s3] =	stream.linear.scatter [tilespmem:s29], [sflag:$0xE], $0x2800, $0x38;
	[tilespmem:$0x1EB68] =	vst v63  }
0xd0: {  	_ =	swait.ge [sflag:s1], $0x2800  }
0xd1: {  	[sflag:s1] =	ssyncset.done $0x0  }
0xd2: {  	s14 =	rddreg [dreg:$0xc];
	[sflag:s1] =	ssyncadd.s32 $0xFFFFD800  }
0xd3: {  	[hbm4b:s14+s3] =	stream.linear.scatter [tilespmem:s31], [sflag:$0xF], $0x2800, $0x38;
	[tilespmem:$0x1EB68] =	vst v63  }
0xd4: {  	_ =	swait.ge [sflag:s4], $0x2800  }
0xd5: {  	[sflag:s4] =	ssyncset.done $0x0  }
0xd6: {  	s15 =	rddreg [dreg:$0xd];
	[sflag:s4] =	ssyncadd.s32 $0xFFFFD800  }
0xd7: {  	[hbm4b:s15+s3] =	stream.linear.scatter [tilespmem:s0], [sflag:$0x10], $0x2800, $0x38;
	[tilespmem:$0x1EB68] =	vst v63  }
0xd8: {  	_ =	swait.ge [sflag:s5], $0x2800  }
0xd9: {  	[sflag:s5] =	ssyncset.done $0x0  }
0xda: {  	[sflag:s5] =	ssyncadd.s32 $0xFFFFD800  }
0xdb: {  	_ =	swait.ge [sflag:s6], $0x2800  }
0xdc: {  	[sflag:s6] =	ssyncset.done $0x0  }
0xdd: {  	[sflag:s6] =	ssyncadd.s32 $0xFFFFD800  }
0xde: {  	_ =	swait.ge [sflag:s7], $0x2800  }
0xdf: {  	[sflag:s7] =	ssyncset.done $0x0  }
0xe0: {  	[sflag:s7] =	ssyncadd.s32 $0xFFFFD800  }
0xe1: {  	_ =	swait.ge [sflag:s8], $0x2800  }
0xe2: {  	[sflag:s8] =	ssyncset.done $0x0  }
0xe3: {  	[sflag:s8] =	ssyncadd.s32 $0xFFFFD800  }
0xe4: {  	_ =	swait.ge [sflag:s9], $0x2800  }
0xe5: {  	[sflag:s9] =	ssyncset.done $0x0  }
0xe6: {  	[sflag:s9] =	ssyncadd.s32 $0xFFFFD800  }
0xe7: {  	_ =	swait.ge [sflag:s10], $0x2800  }
0xe8: {  	[sflag:s10] =	ssyncset.done $0x0  }
0xe9: {  	[sflag:s10] =	ssyncadd.s32 $0xFFFFD800  }
0xea: {  	_ =	swait.ge [sflag:s11], $0x2800  }
0xeb: {  	[sflag:s11] =	ssyncset.done $0x0  }
0xec: {  	[sflag:s11] =	ssyncadd.s32 $0xFFFFD800  }
0xed: {  	_ =	swait.ge [sflag:s12], $0x2800  }
0xee: {  	s14 =	rddreg [dreg:$0x11]  }
0xef: {  	s16 =	rddreg [dreg:$0xe];
	s14 =	sadd.s32 $0x1, s14  }
0xf0: {  	p1 =	sne.s32 s14, s16  }
.Ltmp1:
0xf1: {  	_ = 	snop;
	(pc) =	sbr.rel @p1 .LBB2_1-.Ltmp1, $3  }
0xf2: {  	_ =	sdelay $0x1  }
0xf3: {  	[sflag:s12] =	ssyncset.done $0x0  }
0xf4: {  	[sflag:s12] =	ssyncadd.s32 $0xFFFFD800  }
0xf5: {  	_ =	sfence.sel $0x180000  }
0xf6: {  	[bflag:$0x0] =	sbarrier.arrive $0xFFFF  }
0xf7: {  	_ =	strace $0x90000047  }
0xf8: {  	[bflag:$0x2] =	sbarrier.arrive $0xFFFF  }
0xf9: {  	s0 =	rddreg [dreg:$0x4]  }
0xfa: {  	s0 =	sadd.s32 @!p0 $0x100000, s0  }
0xfb: {  	[sflag:s0] =	ssyncadd.tile.s32 @!p0 $0x1;
	_ =	shalt  }
.Lfunc_end2:
_tile_overlayer_lowered:
.L_overlay_start_2:
0xfc: {  	(tag) =	ssettag $0x2  }
0xfd: {  	s0 =	rddreg [dreg:$0x0];
	s2 =	stileid.u32  }
0xfe: {  	s1 =	rddreg [dreg:$0x1];
	p0 =	sne.s32 s2, $0x0  }
0xff: {  	s3 =	rddreg [dreg:$0x2];
	[bflag:$0x3] =	sbarrier.arrive $0xFFFF;
	s2 =	simm.s32 @!p0 $0x1C11  }
0x100: {  	[timem:s3], [sflag:s2] =	dma.local @!p0 [hbm:s0], s1  }
0x101: {  	s0 =	simm.s32 @!p0 $0x11  }
0x102: {  	_ =	swait.ge @!p0 [sflag:s0], s1  }
0x103: {  	s1 =	ssub.s32 @!p0 $0x0, s1;
	[sflag:s0] =	ssyncset.done @!p0 $0x0  }
0x104: {  	[sflag:s0] =	ssyncadd.s32 @!p0 s1  }
0x105: {  	[bflag:$0x3] =	sbarrier.arrive $0xFFFF  }
0x106: {  	_ =	shalt  }

</sc_bundles>
